<compile_context>
chip_gen: v7x
topology: tpu7x:2x2x1
jax: 0.10.2.dev20260603
libtpu: 0.0.44.dev20260713+nightly
codegen_flags: <defaults>
</compile_context>

<pallas_src>
import jax
import jax.numpy as jnp
from jax.experimental import pallas as pl
from jax.experimental.pallas import tpu as pltpu

FS = 256
DT = 15.0
DT2 = DT * DT
INV_DT = 1.0 / DT
R = 16
NT = FS // R


def _body(ep_ref, idx_ref, cnts_ref, img_ref, wimg_ref, wpn_ref, b_ref,
          out_ref, facc, pvec, wbuf):
    i = pl.program_id(0)

    @pl.when(i == 0)
    def _():
        facc[...] = jnp.zeros((8, 128), jnp.float32)
        pvec[...] = jnp.zeros((16, 256), jnp.float32)
        wbuf[4:8, :] = jnp.zeros((4, R * 256), jnp.float32)

    y0 = (i * R).astype(jnp.float32)
    Vg = jax.lax.broadcasted_iota(jnp.int32, (R + 1, 256), 0).astype(jnp.float32) + y0
    Ug = jax.lax.broadcasted_iota(jnp.int32, (R + 1, 256), 1).astype(jnp.float32)
    valid = (Vg <= 255.0).astype(jnp.float32)

    for b in range(4):
        zero = jnp.zeros((R + 1, 256), jnp.float32)

        def edge_step(k, a, b=b):
            cnt, spo, snd = a
            ei = idx_ref[i, b, k]
            p1v = ep_ref[b, ei, 0]
            p1u = ep_ref[b, ei, 1]
            p2v = ep_ref[b, ei, 2]
            p2u = ep_ref[b, ei, 3]
            n0 = ep_ref[b, ei, 4]
            n1 = ep_ref[b, ei, 5]
            c0 = ep_ref[b, ei, 6]
            c1 = ep_ref[b, ei, 7]
            r0 = Vg - p1v
            r1 = Ug - p1u
            nd = jnp.abs(r0 * n0 + r1 * n1)
            dd = r0 * c0 + r1 * c1
            q1 = r0 * r0 + r1 * r1
            s0 = Vg - p2v
            s1 = Ug - p2u
            q2 = s0 * s0 + s1 * s1
            m = ((nd <= DT) & (dd >= 0.0) & (dd <= 1.0)) \
                | (q1 <= DT2) | (q2 <= DT2)
            mf = m.astype(jnp.float32)
            return (cnt + mf,
                    spo + mf * jnp.maximum(dd, 1.0 - dd),
                    snd + mf * (1.0 - nd * INV_DT))

        cnt, spo, snd = jax.lax.fori_loop(
            0, cnts_ref[i, b], edge_step, (zero, zero, zero))

        M = (cnt > 0.0).astype(jnp.float32) * valid
        den = jnp.maximum(cnt[:R], 1e-4)
        pvec[b : b + 1, :] += jnp.sum(M[:R], axis=0, keepdims=True)
        pvec[4 + b : 5 + b, :] += jnp.sum(spo[:R] / den, axis=0, keepdims=True)
        pvec[8 + b : 9 + b, :] += jnp.sum(snd[:R] / den, axis=0, keepdims=True)
        A = M[:R] + M[1 : R + 1]
        Ax = jnp.concatenate([A[:, 1:], jnp.zeros((R, 1), jnp.float32)], axis=1)
        wbuf[b : b + 1, :] = ((A + Ax) * 0.25).reshape(1, R * 256)

    facc[...] += jax.lax.dot_general(
        wbuf[...], img_ref[...], (((1,), (1,)), ((), ())),
        preferred_element_type=jnp.float32)

    @pl.when(i == NT - 1)
    def _():
        cntb = jnp.sum(pvec[0:4, :], axis=1, keepdims=True)
        spob = jnp.sum(pvec[4:8, :], axis=1, keepdims=True)
        sndb = jnp.sum(pvec[8:12, :], axis=1, keepdims=True)
        z = jax.lax.dot_general(
            facc[...], wimg_ref[...], (((1,), (0,)), ((), ())),
            preferred_element_type=jnp.float32)[0:4]
        z = z + spob * wpn_ref[0:1, :] + sndb * wpn_ref[1:2, :]
        den = jnp.maximum(cntb, 1.0)
        out_ref[...] = jnp.maximum(z / den + b_ref[...], 0.0)


def kernel(image_x, all_edges, W_out, b_out):
    img2d = jnp.reshape(image_x, (128, FS * FS))
    e = all_edges * float(FS)
    p1v, p1u, p2v, p2u = e[..., 0], e[..., 1], e[..., 2], e[..., 3]
    dv = p2v - p1v
    du = p2u - p1u
    L = jnp.maximum(jnp.sqrt(dv * dv + du * du), 1e-4)
    dir0 = dv / L
    dir1 = du / L
    invL = 1.0 / L
    ep = jnp.stack(
        [p1v, p1u, p2v, p2u, dir1, -dir0, dir0 * invL, dir1 * invL],
        axis=-1)

    lo = jnp.minimum(p1v, p2v) - (DT + 1.0)
    hi = jnp.maximum(p1v, p2v) + (DT + 1.0)
    ty0 = (jnp.arange(NT, dtype=jnp.float32) * R)[:, None, None]
    hit = (ty0 <= hi[None]) & (ty0 + float(R) >= lo[None])
    idx = jnp.argsort(jnp.logical_not(hit), axis=-1, stable=True).astype(jnp.int32)
    cnts = hit.sum(-1).astype(jnp.int32)

    wimg = W_out[:128]
    wpn = W_out[128:130]
    brow = jnp.reshape(b_out, (1, 256))

    return pl.pallas_call(
        _body,
        grid=(NT,),
        in_specs=[
            pl.BlockSpec(memory_space=pltpu.SMEM),
            pl.BlockSpec(memory_space=pltpu.SMEM),
            pl.BlockSpec(memory_space=pltpu.SMEM),
            pl.BlockSpec((128, R * 256), lambda i: (0, i)),
            pl.BlockSpec((128, 256), lambda i: (0, 0)),
            pl.BlockSpec((2, 256), lambda i: (0, 0)),
            pl.BlockSpec((1, 256), lambda i: (0, 0)),
        ],
        out_specs=pl.BlockSpec((4, 256), lambda i: (0, 0)),
        out_shape=jax.ShapeDtypeStruct((4, 256), jnp.float32),
        scratch_shapes=[
            pltpu.VMEM((8, 128), jnp.float32),
            pltpu.VMEM((16, 256), jnp.float32),
            pltpu.VMEM((8, R * 256), jnp.float32),
        ],
    )(ep, idx, cnts, img2d, wimg, wpn, brow)

# --- scband reference (transcript-rebuilt; emitter-appended) ---
"""Pipeline reference for scband-sparse-encoder-spatial-12214886990220 (READ-ONLY COPY).

The authoritative reference and input builder live on the scoring server;
editing this copy changes nothing except your own understanding.
"""

import jax, jax.numpy as jnp
import numpy as np

FULL_SCALE = 256
DT = 15.0
C_IN = 128
C_OUT = 256

def make_uvs(fs):
    Us = jnp.tile(jnp.arange(fs, dtype=jnp.float32), (fs, 1))
    Vs = jnp.tile(jnp.arange(fs, dtype=jnp.float32)[:, None], (1, fs))
    return jnp.stack([Vs, Us], axis=-1)[:, :, None, :]  # [fs, fs, 1, 2]

def edge_geom(UVs, edges, size):
    edges = edges * size
    d = edges[:, 2:4] - edges[:, :2]
    lengths = jnp.linalg.norm(d, axis=-1)
    dirs = d / jnp.maximum(lengths[:, None], 1e-4)
    normals = jnp.stack([dirs[:, 1], -dirs[:, 0]], axis=-1)
    nd = jnp.abs(((UVs - edges[:, :2]) * normals).sum(-1))
    dd = ((UVs - edges[:, :2]) * dirs).sum(-1) / jnp.maximum(lengths, 1e-4)
    mask_all = ((nd <= DT) & (dd <= 1) & (dd >= 0)) \
        | (jnp.linalg.norm(UVs - edges[:, :2], axis=-1) <= DT) \
        | (jnp.linalg.norm(UVs - edges[:, 2:4], axis=-1) <= DT)
    return nd, dd, mask_all

def edge_points_jax(UVs, edges, size):
    nd, dd, mask_all = edge_geom(UVs, edges, size)
    edge_mask = mask_all.any(-1)
    po = jnp.maximum(dd, 1 - dd)
    pinfo = jnp.stack([po, 1 - nd / DT], axis=-1)
    m = mask_all.astype(jnp.float32)[..., None]
    pinfo = (pinfo * m).sum(-2) / jnp.maximum(m.sum(-2), 1e-4)
    return edge_mask, pinfo

def grid_sample_bilinear(img, grid_xy):
    # img [1,C,H,W], grid_xy [N,2] in [-1,1], align_corners=False, zero padding
    H, W = img.shape[2], img.shape[3]
    x = grid_xy[:, 0]
    y = grid_xy[:, 1]
    ix = ((x + 1.0) * W - 1.0) / 2.0
    iy = ((y + 1.0) * H - 1.0) / 2.0
    x0 = jnp.floor(ix)
    y0 = jnp.floor(iy)
    x1 = x0 + 1.0
    y1 = y0 + 1.0
    wx1 = ix - x0
    wx0 = 1.0 - wx1
    wy1 = iy - y0
    wy0 = 1.0 - wy1
    im = img[0]  # [C,H,W]
    def gather(yc, xc):
        valid = (xc >= 0) & (xc <= W - 1) & (yc >= 0) & (yc <= H - 1)
        xi = jnp.clip(xc, 0, W - 1).astype(jnp.int32)
        yi = jnp.clip(yc, 0, H - 1).astype(jnp.int32)
        v = im[:, yi, xi]  # [C,N]
        return v * valid.astype(im.dtype)
    out = gather(y0, x0) * (wy0 * wx0) + gather(y0, x1) * (wy0 * wx1) \
        + gather(y1, x0) * (wy1 * wx0) + gather(y1, x1) * (wy1 * wx1)
    return out  # [C,N]

def setup_inputs(seed: int = 0):
    key = jax.random.key(seed)
    k1, k2, k3 = jax.random.split(key, 3)
    image_x = jax.random.normal(k1, (1, C_IN, FULL_SCALE, FULL_SCALE), dtype=jnp.float32)
    all_edges = jax.random.uniform(k2, (4, 32, 4), dtype=jnp.float32)
    W_out = jax.random.normal(k3, (C_IN + 2, C_OUT), dtype=jnp.float32) * 0.05
    b_out = jnp.zeros((C_OUT,), dtype=jnp.float32)
    return {"image_x": image_x, "all_edges": all_edges, "W_out": W_out, "b_out": b_out}

def reference(image_x, all_edges, W_out, b_out):
    UVs = make_uvs(FULL_SCALE)
    B = all_edges.shape[0]
    fs = FULL_SCALE
    idx = jnp.arange(fs, dtype=jnp.float32)
    rr = jnp.repeat(idx, fs)
    cc = jnp.tile(idx, fs)
    pn_r = rr / FULL_SCALE * 2.0 - 1.0
    pn_c = cc / FULL_SCALE * 2.0 - 1.0
    grid_xy = jnp.stack([pn_c, pn_r], axis=-1)
    feats_img = grid_sample_bilinear(image_x, grid_xy).T  # [fs*fs, C]
    all_masks, all_pinfo = [], []
    for b in range(B):
        edge_mask, pinfo_b = edge_points_jax(UVs, all_edges[b], FULL_SCALE)
        all_masks.append(edge_mask.reshape(-1))
        all_pinfo.append(pinfo_b.reshape(-1, 2))
    mask = jnp.concatenate(all_masks, axis=0)
    pinfo = jnp.concatenate(all_pinfo, axis=0)
    batch_idx = jnp.repeat(jnp.arange(B, dtype=jnp.int32), fs * fs)
    feats = jnp.concatenate([jnp.tile(feats_img, (B, 1)), pinfo], axis=-1)  # [B*fs*fs, C+2]
    mf = mask.astype(jnp.float32)
    feats = feats * mf[:, None]
    fsum = jax.ops.segment_sum(feats, batch_idx, num_segments=B)
    cnt = jax.ops.segment_sum(mf, batch_idx, num_segments=B)
    pooled = fsum / jnp.maximum(cnt, 1.0)[:, None]
    x = jax.nn.relu(pooled @ W_out + b_out)  # [B, C_OUT] -- stand-in for scn sparse CNN + SparseToDense
    return x

if __name__ == "__main__":
    import jax
    _d = setup_inputs()
    print(jax.jit(kernel)(*tuple(_d.values())))

</pallas_src>

<mosaic_0001>
module attributes {stable_mosaic.version = 14 : i64} {
  func.func @_body(%arg0: i32, %arg1: memref<4x32x8xf32, #tpu.memory_space<smem>>, %arg2: memref<16x4x32xi32, #tpu.memory_space<smem>>, %arg3: memref<16x4xi32, #tpu.memory_space<smem>>, %arg4: memref<128x4096xf32, #tpu.memory_space<vmem>>, %arg5: memref<128x256xf32, #tpu.memory_space<vmem>>, %arg6: memref<2x256xf32, #tpu.memory_space<vmem>>, %arg7: memref<1x256xf32, #tpu.memory_space<vmem>>, %arg8: memref<4x256xf32, #tpu.memory_space<vmem>>, %arg9: memref<8x128xf32, #tpu.memory_space<vmem>>, %arg10: memref<16x256xf32, #tpu.memory_space<vmem>>, %arg11: memref<8x4096xf32, #tpu.memory_space<vmem>>) attributes {dimension_semantics = [#tpu.dimension_semantics<arbitrary>], iteration_bounds = array<i64: 16>, scalar_prefetch = 0 : i64, scratch_operands = 3 : i64, tpu.core_type = #tpu.core_type<tc>, window_params = [{transform_indices = @transform_0, window_bounds = array<i64: 4, 32, 8>}, {transform_indices = @transform_1, window_bounds = array<i64: 16, 4, 32>}, {transform_indices = @transform_2, window_bounds = array<i64: 16, 4>}, {transform_indices = @transform_3, window_bounds = array<i64: 128, 4096>}, {pipeline_mode = #tpu.pipeline_mode<synchronous>, transform_indices = @transform_4, window_bounds = array<i64: 128, 256>}, {pipeline_mode = #tpu.pipeline_mode<synchronous>, transform_indices = @transform_5, window_bounds = array<i64: 2, 256>}, {pipeline_mode = #tpu.pipeline_mode<synchronous>, transform_indices = @transform_6, window_bounds = array<i64: 1, 256>}, {pipeline_mode = #tpu.pipeline_mode<synchronous>, transform_indices = @transform_7, window_bounds = array<i64: 4, 256>}]} {
    %eq3A = arith.constant 0 : i32
    %eq3A_0 = arith.cmpi eq, %arg0, %eq3A : i32
    %convert_element_type3A = arith.extui %eq3A_0 : i1 to i32
    %cond3A = arith.constant 0 : i32
    %cond3A_1 = arith.cmpi ne, %convert_element_type3A, %cond3A : i32
    scf.if %cond3A_1 {
      %broadcast_in_dim3A_324 = arith.constant 0.000000e+00 : f32
      %broadcast_in_dim3A_325 = vector.broadcast %broadcast_in_dim3A_324 : f32 to vector<8x128xf32>
      %swap3A_326 = arith.constant 0 : index
      %swap3A_327 = arith.constant 0 : index
      %swap3A_328 = vector.load %arg9[%swap3A_326, %swap3A_327] : memref<8x128xf32, #tpu.memory_space<vmem>>, vector<8x128xf32>
      tpu.vector_store %arg9[%swap3A_326, %swap3A_327], %broadcast_in_dim3A_325 {strides = array<i32>} : memref<8x128xf32, #tpu.memory_space<vmem>>, vector<8x128xf32>,
      %broadcast_in_dim3A_329 = arith.constant 0.000000e+00 : f32
      %broadcast_in_dim3A_330 = vector.broadcast %broadcast_in_dim3A_329 : f32 to vector<16x256xf32>
      %swap3A_331 = arith.constant 0 : index
      %swap3A_332 = arith.constant 0 : index
      %swap3A_333 = vector.load %arg10[%swap3A_331, %swap3A_332] : memref<16x256xf32, #tpu.memory_space<vmem>>, vector<16x256xf32>
      tpu.vector_store %arg10[%swap3A_331, %swap3A_332], %broadcast_in_dim3A_330 {strides = array<i32>} : memref<16x256xf32, #tpu.memory_space<vmem>>, vector<16x256xf32>,
      %broadcast_in_dim3A_334 = arith.constant 0.000000e+00 : f32
      %broadcast_in_dim3A_335 = vector.broadcast %broadcast_in_dim3A_334 : f32 to vector<4x4096xf32>
      %swap3A_336 = arith.constant 4 : index
      %swap3A_337 = arith.constant 0 : index
      %swap3A_338 = vector.load %arg11[%swap3A_336, %swap3A_337] : memref<8x4096xf32, #tpu.memory_space<vmem>>, vector<4x4096xf32>
      tpu.vector_store %arg11[%swap3A_336, %swap3A_337], %broadcast_in_dim3A_335 {strides = array<i32>} : memref<8x4096xf32, #tpu.memory_space<vmem>>, vector<4x4096xf32>,
    } else {
    }
    %mul3A = arith.constant 16 : i32
    %mul3A_2 = arith.muli %arg0, %mul3A : i32
    %convert_element_type3A_3 = arith.sitofp %mul3A_2 : i32 to f32
    %iota3A = tpu.iota {dimensions = array<i32: 0>} : vector<17x256xi32>
    %convert_element_type3A_4 = arith.sitofp %iota3A : vector<17x256xi32> to vector<17x256xf32>
    %add3A = vector.broadcast %convert_element_type3A_3 : f32 to vector<17x256xf32>
    %add3A_5 = arith.addf %convert_element_type3A_4, %add3A : vector<17x256xf32>
    %iota3A_6 = tpu.iota {dimensions = array<i32: 1>} : vector<17x256xi32>
    %convert_element_type3A_7 = arith.sitofp %iota3A_6 : vector<17x256xi32> to vector<17x256xf32>
    %le3A = arith.constant 2.550000e+02 : f32
    %le3A_8 = vector.broadcast %le3A : f32 to vector<17x256xf32>
    %le3A_9 = arith.cmpf ole, %add3A_5, %le3A_8 : vector<17x256xf32>
    %convert_element_type3A_10 = arith.extui %le3A_9 : vector<17x256xi1> to vector<17x256xi32>
    %convert_element_type3A_11 = arith.sitofp %convert_element_type3A_10 : vector<17x256xi32> to vector<17x256xf32>
    %broadcast_in_dim3A = arith.constant 0.000000e+00 : f32
    %broadcast_in_dim3A_12 = vector.broadcast %broadcast_in_dim3A : f32 to vector<17x256xf32>
    %get3A = arith.index_cast %arg0 : i32 to index
    %get3A_13 = arith.constant 0 : index
    %get3A_14 = memref.load %arg3[%get3A, %get3A_13] : memref<16x4xi32, #tpu.memory_space<smem>>
    %while3A = arith.constant 0 : i32
    %while3A_15 = arith.subi %get3A_14, %while3A : i32
    %while3A_16 = arith.addi %while3A, %while3A_15 : i32
    %while3A_17 = arith.constant 1 : i32
    %while3A_18 = arith.divsi %while3A_15, %while3A_17 : i32
    %while3A_19 = arith.muli %while3A_18, %while3A_17 : i32
    %while3A_20 = arith.addi %while3A, %while3A_19 : i32
    %while3A_21 = arith.constant 1 : i32
    %while3A_22:3 = scf.for %while3A_324 = %while3A to %while3A_20 step %while3A_21 iter_args(%while3A_325 = %broadcast_in_dim3A_12, %while3A_326 = %broadcast_in_dim3A_12, %while3A_327 = %broadcast_in_dim3A_12) -> (vector<17x256xf32>, vector<17x256xf32>, vector<17x256xf32>)  : i32 {
      %get3A_328 = arith.index_cast %arg0 : i32 to index
      %get3A_329 = arith.constant 0 : index
      %get3A_330 = arith.index_cast %while3A_324 : i32 to index
      %get3A_331 = memref.load %arg2[%get3A_328, %get3A_329, %get3A_330] : memref<16x4x32xi32, #tpu.memory_space<smem>>
      %get3A_332 = arith.constant 0 : index
      %get3A_333 = arith.index_cast %get3A_331 : i32 to index
      %get3A_334 = arith.constant 0 : index
      %get3A_335 = memref.load %arg1[%get3A_332, %get3A_333, %get3A_334] : memref<4x32x8xf32, #tpu.memory_space<smem>>
      %get3A_336 = arith.constant 0 : index
      %get3A_337 = arith.index_cast %get3A_331 : i32 to index
      %get3A_338 = arith.constant 1 : index
      %get3A_339 = memref.load %arg1[%get3A_336, %get3A_337, %get3A_338] : memref<4x32x8xf32, #tpu.memory_space<smem>>
      %get3A_340 = arith.constant 0 : index
      %get3A_341 = arith.index_cast %get3A_331 : i32 to index
      %get3A_342 = arith.constant 2 : index
      %get3A_343 = memref.load %arg1[%get3A_340, %get3A_341, %get3A_342] : memref<4x32x8xf32, #tpu.memory_space<smem>>
      %get3A_344 = arith.constant 0 : index
      %get3A_345 = arith.index_cast %get3A_331 : i32 to index
      %get3A_346 = arith.constant 3 : index
      %get3A_347 = memref.load %arg1[%get3A_344, %get3A_345, %get3A_346] : memref<4x32x8xf32, #tpu.memory_space<smem>>
      %get3A_348 = arith.constant 0 : index
      %get3A_349 = arith.index_cast %get3A_331 : i32 to index
      %get3A_350 = arith.constant 4 : index
      %get3A_351 = memref.load %arg1[%get3A_348, %get3A_349, %get3A_350] : memref<4x32x8xf32, #tpu.memory_space<smem>>
      %get3A_352 = arith.constant 0 : index
      %get3A_353 = arith.index_cast %get3A_331 : i32 to index
      %get3A_354 = arith.constant 5 : index
      %get3A_355 = memref.load %arg1[%get3A_352, %get3A_353, %get3A_354] : memref<4x32x8xf32, #tpu.memory_space<smem>>
      %get3A_356 = arith.constant 0 : index
      %get3A_357 = arith.index_cast %get3A_331 : i32 to index
      %get3A_358 = arith.constant 6 : index
      %get3A_359 = memref.load %arg1[%get3A_356, %get3A_357, %get3A_358] : memref<4x32x8xf32, #tpu.memory_space<smem>>
      %get3A_360 = arith.constant 0 : index
      %get3A_361 = arith.index_cast %get3A_331 : i32 to index
      %get3A_362 = arith.constant 7 : index
      %get3A_363 = memref.load %arg1[%get3A_360, %get3A_361, %get3A_362] : memref<4x32x8xf32, #tpu.memory_space<smem>>
      %sub3A = vector.broadcast %get3A_335 : f32 to vector<17x256xf32>
      %sub3A_364 = arith.subf %add3A_5, %sub3A : vector<17x256xf32>
      %sub3A_365 = vector.broadcast %get3A_339 : f32 to vector<17x256xf32>
      %sub3A_366 = arith.subf %convert_element_type3A_7, %sub3A_365 : vector<17x256xf32>
      %mul3A_367 = vector.broadcast %get3A_351 : f32 to vector<17x256xf32>
      %mul3A_368 = arith.mulf %sub3A_364, %mul3A_367 : vector<17x256xf32>
      %mul3A_369 = vector.broadcast %get3A_355 : f32 to vector<17x256xf32>
      %mul3A_370 = arith.mulf %sub3A_366, %mul3A_369 : vector<17x256xf32>
      %add3A_371 = arith.addf %mul3A_368, %mul3A_370 : vector<17x256xf32>
      %abs3A = math.absf %add3A_371 : vector<17x256xf32>
      %mul3A_372 = vector.broadcast %get3A_359 : f32 to vector<17x256xf32>
      %mul3A_373 = arith.mulf %sub3A_364, %mul3A_372 : vector<17x256xf32>
      %mul3A_374 = vector.broadcast %get3A_363 : f32 to vector<17x256xf32>
      %mul3A_375 = arith.mulf %sub3A_366, %mul3A_374 : vector<17x256xf32>
      %add3A_376 = arith.addf %mul3A_373, %mul3A_375 : vector<17x256xf32>
      %mul3A_377 = arith.mulf %sub3A_364, %sub3A_364 : vector<17x256xf32>
      %mul3A_378 = arith.mulf %sub3A_366, %sub3A_366 : vector<17x256xf32>
      %add3A_379 = arith.addf %mul3A_377, %mul3A_378 : vector<17x256xf32>
      %sub3A_380 = vector.broadcast %get3A_343 : f32 to vector<17x256xf32>
      %sub3A_381 = arith.subf %add3A_5, %sub3A_380 : vector<17x256xf32>
      %sub3A_382 = vector.broadcast %get3A_347 : f32 to vector<17x256xf32>
      %sub3A_383 = arith.subf %convert_element_type3A_7, %sub3A_382 : vector<17x256xf32>
      %mul3A_384 = arith.mulf %sub3A_381, %sub3A_381 : vector<17x256xf32>
      %mul3A_385 = arith.mulf %sub3A_383, %sub3A_383 : vector<17x256xf32>
      %add3A_386 = arith.addf %mul3A_384, %mul3A_385 : vector<17x256xf32>
      %le3A_387 = arith.constant 1.500000e+01 : f32
      %le3A_388 = vector.broadcast %le3A_387 : f32 to vector<17x256xf32>
      %le3A_389 = arith.cmpf ole, %abs3A, %le3A_388 : vector<17x256xf32>
      %ge3A = arith.constant 0.000000e+00 : f32
      %ge3A_390 = vector.broadcast %ge3A : f32 to vector<17x256xf32>
      %ge3A_391 = arith.cmpf oge, %add3A_376, %ge3A_390 : vector<17x256xf32>
      %and3A = arith.andi %le3A_389, %ge3A_391 : vector<17x256xi1>
      %le3A_392 = arith.constant 1.000000e+00 : f32
      %le3A_393 = vector.broadcast %le3A_392 : f32 to vector<17x256xf32>
      %le3A_394 = arith.cmpf ole, %add3A_376, %le3A_393 : vector<17x256xf32>
      %and3A_395 = arith.andi %and3A, %le3A_394 : vector<17x256xi1>
      %le3A_396 = arith.constant 2.250000e+02 : f32
      %le3A_397 = vector.broadcast %le3A_396 : f32 to vector<17x256xf32>
      %le3A_398 = arith.cmpf ole, %add3A_379, %le3A_397 : vector<17x256xf32>
      %or3A = arith.ori %and3A_395, %le3A_398 : vector<17x256xi1>
      %le3A_399 = arith.constant 2.250000e+02 : f32
      %le3A_400 = vector.broadcast %le3A_399 : f32 to vector<17x256xf32>
      %le3A_401 = arith.cmpf ole, %add3A_386, %le3A_400 : vector<17x256xf32>
      %or3A_402 = arith.ori %or3A, %le3A_401 : vector<17x256xi1>
      %convert_element_type3A_403 = arith.extui %or3A_402 : vector<17x256xi1> to vector<17x256xi32>
      %convert_element_type3A_404 = arith.sitofp %convert_element_type3A_403 : vector<17x256xi32> to vector<17x256xf32>
      %add3A_405 = arith.addf %while3A_325, %convert_element_type3A_404 : vector<17x256xf32>
      %sub3A_406 = arith.constant 1.000000e+00 : f32
      %sub3A_407 = vector.broadcast %sub3A_406 : f32 to vector<17x256xf32>
      %sub3A_408 = arith.subf %sub3A_407, %add3A_376 : vector<17x256xf32>
      %max3A_409 = arith.maximumf %add3A_376, %sub3A_408 : vector<17x256xf32>
      %mul3A_410 = arith.mulf %convert_element_type3A_404, %max3A_409 : vector<17x256xf32>
      %add3A_411 = arith.addf %while3A_326, %mul3A_410 : vector<17x256xf32>
      %mul3A_412 = arith.constant 0.0666666701 : f32
      %mul3A_413 = vector.broadcast %mul3A_412 : f32 to vector<17x256xf32>
      %mul3A_414 = arith.mulf %abs3A, %mul3A_413 : vector<17x256xf32>
      %sub3A_415 = arith.constant 1.000000e+00 : f32
      %sub3A_416 = vector.broadcast %sub3A_415 : f32 to vector<17x256xf32>
      %sub3A_417 = arith.subf %sub3A_416, %mul3A_414 : vector<17x256xf32>
      %mul3A_418 = arith.mulf %convert_element_type3A_404, %sub3A_417 : vector<17x256xf32>
      %add3A_419 = arith.addf %while3A_327, %mul3A_418 : vector<17x256xf32>
      scf.yield %add3A_405, %add3A_411, %add3A_419 : vector<17x256xf32>, vector<17x256xf32>, vector<17x256xf32>
    }
    %while3A_23 = arith.constant 1 : i32
    %while3A_24:3 = scf.for %while3A_324 = %while3A_20 to %while3A_16 step %while3A_23 iter_args(%while3A_325 = %while3A_22#0, %while3A_326 = %while3A_22#1, %while3A_327 = %while3A_22#2) -> (vector<17x256xf32>, vector<17x256xf32>, vector<17x256xf32>)  : i32 {
      %get3A_328 = arith.index_cast %arg0 : i32 to index
      %get3A_329 = arith.constant 0 : index
      %get3A_330 = arith.index_cast %while3A_324 : i32 to index
      %get3A_331 = memref.load %arg2[%get3A_328, %get3A_329, %get3A_330] : memref<16x4x32xi32, #tpu.memory_space<smem>>
      %get3A_332 = arith.constant 0 : index
      %get3A_333 = arith.index_cast %get3A_331 : i32 to index
      %get3A_334 = arith.constant 0 : index
      %get3A_335 = memref.load %arg1[%get3A_332, %get3A_333, %get3A_334] : memref<4x32x8xf32, #tpu.memory_space<smem>>
      %get3A_336 = arith.constant 0 : index
      %get3A_337 = arith.index_cast %get3A_331 : i32 to index
      %get3A_338 = arith.constant 1 : index
      %get3A_339 = memref.load %arg1[%get3A_336, %get3A_337, %get3A_338] : memref<4x32x8xf32, #tpu.memory_space<smem>>
      %get3A_340 = arith.constant 0 : index
      %get3A_341 = arith.index_cast %get3A_331 : i32 to index
      %get3A_342 = arith.constant 2 : index
      %get3A_343 = memref.load %arg1[%get3A_340, %get3A_341, %get3A_342] : memref<4x32x8xf32, #tpu.memory_space<smem>>
      %get3A_344 = arith.constant 0 : index
      %get3A_345 = arith.index_cast %get3A_331 : i32 to index
      %get3A_346 = arith.constant 3 : index
      %get3A_347 = memref.load %arg1[%get3A_344, %get3A_345, %get3A_346] : memref<4x32x8xf32, #tpu.memory_space<smem>>
      %get3A_348 = arith.constant 0 : index
      %get3A_349 = arith.index_cast %get3A_331 : i32 to index
      %get3A_350 = arith.constant 4 : index
      %get3A_351 = memref.load %arg1[%get3A_348, %get3A_349, %get3A_350] : memref<4x32x8xf32, #tpu.memory_space<smem>>
      %get3A_352 = arith.constant 0 : index
      %get3A_353 = arith.index_cast %get3A_331 : i32 to index
      %get3A_354 = arith.constant 5 : index
      %get3A_355 = memref.load %arg1[%get3A_352, %get3A_353, %get3A_354] : memref<4x32x8xf32, #tpu.memory_space<smem>>
      %get3A_356 = arith.constant 0 : index
      %get3A_357 = arith.index_cast %get3A_331 : i32 to index
      %get3A_358 = arith.constant 6 : index
      %get3A_359 = memref.load %arg1[%get3A_356, %get3A_357, %get3A_358] : memref<4x32x8xf32, #tpu.memory_space<smem>>
      %get3A_360 = arith.constant 0 : index
      %get3A_361 = arith.index_cast %get3A_331 : i32 to index
      %get3A_362 = arith.constant 7 : index
      %get3A_363 = memref.load %arg1[%get3A_360, %get3A_361, %get3A_362] : memref<4x32x8xf32, #tpu.memory_space<smem>>
      %sub3A = vector.broadcast %get3A_335 : f32 to vector<17x256xf32>
      %sub3A_364 = arith.subf %add3A_5, %sub3A : vector<17x256xf32>
      %sub3A_365 = vector.broadcast %get3A_339 : f32 to vector<17x256xf32>
      %sub3A_366 = arith.subf %convert_element_type3A_7, %sub3A_365 : vector<17x256xf32>
      %mul3A_367 = vector.broadcast %get3A_351 : f32 to vector<17x256xf32>
      %mul3A_368 = arith.mulf %sub3A_364, %mul3A_367 : vector<17x256xf32>
      %mul3A_369 = vector.broadcast %get3A_355 : f32 to vector<17x256xf32>
      %mul3A_370 = arith.mulf %sub3A_366, %mul3A_369 : vector<17x256xf32>
      %add3A_371 = arith.addf %mul3A_368, %mul3A_370 : vector<17x256xf32>
      %abs3A = math.absf %add3A_371 : vector<17x256xf32>
      %mul3A_372 = vector.broadcast %get3A_359 : f32 to vector<17x256xf32>
      %mul3A_373 = arith.mulf %sub3A_364, %mul3A_372 : vector<17x256xf32>
      %mul3A_374 = vector.broadcast %get3A_363 : f32 to vector<17x256xf32>
      %mul3A_375 = arith.mulf %sub3A_366, %mul3A_374 : vector<17x256xf32>
      %add3A_376 = arith.addf %mul3A_373, %mul3A_375 : vector<17x256xf32>
      %mul3A_377 = arith.mulf %sub3A_364, %sub3A_364 : vector<17x256xf32>
      %mul3A_378 = arith.mulf %sub3A_366, %sub3A_366 : vector<17x256xf32>
      %add3A_379 = arith.addf %mul3A_377, %mul3A_378 : vector<17x256xf32>
      %sub3A_380 = vector.broadcast %get3A_343 : f32 to vector<17x256xf32>
      %sub3A_381 = arith.subf %add3A_5, %sub3A_380 : vector<17x256xf32>
      %sub3A_382 = vector.broadcast %get3A_347 : f32 to vector<17x256xf32>
      %sub3A_383 = arith.subf %convert_element_type3A_7, %sub3A_382 : vector<17x256xf32>
      %mul3A_384 = arith.mulf %sub3A_381, %sub3A_381 : vector<17x256xf32>
      %mul3A_385 = arith.mulf %sub3A_383, %sub3A_383 : vector<17x256xf32>
      %add3A_386 = arith.addf %mul3A_384, %mul3A_385 : vector<17x256xf32>
      %le3A_387 = arith.constant 1.500000e+01 : f32
      %le3A_388 = vector.broadcast %le3A_387 : f32 to vector<17x256xf32>
      %le3A_389 = arith.cmpf ole, %abs3A, %le3A_388 : vector<17x256xf32>
      %ge3A = arith.constant 0.000000e+00 : f32
      %ge3A_390 = vector.broadcast %ge3A : f32 to vector<17x256xf32>
      %ge3A_391 = arith.cmpf oge, %add3A_376, %ge3A_390 : vector<17x256xf32>
      %and3A = arith.andi %le3A_389, %ge3A_391 : vector<17x256xi1>
      %le3A_392 = arith.constant 1.000000e+00 : f32
      %le3A_393 = vector.broadcast %le3A_392 : f32 to vector<17x256xf32>
      %le3A_394 = arith.cmpf ole, %add3A_376, %le3A_393 : vector<17x256xf32>
      %and3A_395 = arith.andi %and3A, %le3A_394 : vector<17x256xi1>
      %le3A_396 = arith.constant 2.250000e+02 : f32
      %le3A_397 = vector.broadcast %le3A_396 : f32 to vector<17x256xf32>
      %le3A_398 = arith.cmpf ole, %add3A_379, %le3A_397 : vector<17x256xf32>
      %or3A = arith.ori %and3A_395, %le3A_398 : vector<17x256xi1>
      %le3A_399 = arith.constant 2.250000e+02 : f32
      %le3A_400 = vector.broadcast %le3A_399 : f32 to vector<17x256xf32>
      %le3A_401 = arith.cmpf ole, %add3A_386, %le3A_400 : vector<17x256xf32>
      %or3A_402 = arith.ori %or3A, %le3A_401 : vector<17x256xi1>
      %convert_element_type3A_403 = arith.extui %or3A_402 : vector<17x256xi1> to vector<17x256xi32>
      %convert_element_type3A_404 = arith.sitofp %convert_element_type3A_403 : vector<17x256xi32> to vector<17x256xf32>
      %add3A_405 = arith.addf %while3A_325, %convert_element_type3A_404 : vector<17x256xf32>
      %sub3A_406 = arith.constant 1.000000e+00 : f32
      %sub3A_407 = vector.broadcast %sub3A_406 : f32 to vector<17x256xf32>
      %sub3A_408 = arith.subf %sub3A_407, %add3A_376 : vector<17x256xf32>
      %max3A_409 = arith.maximumf %add3A_376, %sub3A_408 : vector<17x256xf32>
      %mul3A_410 = arith.mulf %convert_element_type3A_404, %max3A_409 : vector<17x256xf32>
      %add3A_411 = arith.addf %while3A_326, %mul3A_410 : vector<17x256xf32>
      %mul3A_412 = arith.constant 0.0666666701 : f32
      %mul3A_413 = vector.broadcast %mul3A_412 : f32 to vector<17x256xf32>
      %mul3A_414 = arith.mulf %abs3A, %mul3A_413 : vector<17x256xf32>
      %sub3A_415 = arith.constant 1.000000e+00 : f32
      %sub3A_416 = vector.broadcast %sub3A_415 : f32 to vector<17x256xf32>
      %sub3A_417 = arith.subf %sub3A_416, %mul3A_414 : vector<17x256xf32>
      %mul3A_418 = arith.mulf %convert_element_type3A_404, %sub3A_417 : vector<17x256xf32>
      %add3A_419 = arith.addf %while3A_327, %mul3A_418 : vector<17x256xf32>
      scf.yield %add3A_405, %add3A_411, %add3A_419 : vector<17x256xf32>, vector<17x256xf32>, vector<17x256xf32>
    }
    %gt3A = arith.constant 0.000000e+00 : f32
    %gt3A_25 = vector.broadcast %gt3A : f32 to vector<17x256xf32>
    %gt3A_26 = arith.cmpf ogt, %while3A_24#0, %gt3A_25 : vector<17x256xf32>
    %convert_element_type3A_27 = arith.extui %gt3A_26 : vector<17x256xi1> to vector<17x256xi32>
    %convert_element_type3A_28 = arith.sitofp %convert_element_type3A_27 : vector<17x256xi32> to vector<17x256xf32>
    %mul3A_29 = arith.mulf %convert_element_type3A_28, %convert_element_type3A_11 : vector<17x256xf32>
    %slice3A = vector.extract_strided_slice %while3A_24#0 {offsets = [0, 0], sizes = [16, 256], strides = [1, 1]} : vector<17x256xf32> to vector<16x256xf32>
    %max3A = arith.constant 9.99999974E-5 : f32
    %max3A_30 = vector.broadcast %max3A : f32 to vector<16x256xf32>
    %max3A_31 = arith.maximumf %slice3A, %max3A_30 : vector<16x256xf32>
    %get3A_32 = arith.constant 0 : index
    %get3A_33 = arith.constant 0 : index
    %get3A_34 = vector.load %arg10[%get3A_32, %get3A_33] : memref<16x256xf32, #tpu.memory_space<vmem>>, vector<1x256xf32>
    %slice3A_35 = vector.extract_strided_slice %mul3A_29 {offsets = [0, 0], sizes = [16, 256], strides = [1, 1]} : vector<17x256xf32> to vector<16x256xf32>
    %reduce_sum3A = arith.constant dense<0.000000e+00> : vector<256xf32>
    %reduce_sum3A_36 = vector.multi_reduction <add>, %slice3A_35, %reduce_sum3A [0] : vector<16x256xf32> to vector<256xf32>
    %broadcast_in_dim3A_37 = vector.shape_cast %reduce_sum3A_36 : vector<256xf32> to vector<1x256xf32>
    %add3A_38 = arith.addf %get3A_34, %broadcast_in_dim3A_37 : vector<1x256xf32>
    %swap3A = arith.constant 0 : index
    %swap3A_39 = arith.constant 0 : index
    %swap3A_40 = vector.load %arg10[%swap3A, %swap3A_39] : memref<16x256xf32, #tpu.memory_space<vmem>>, vector<1x256xf32>
    tpu.vector_store %arg10[%swap3A, %swap3A_39], %add3A_38 {strides = array<i32>} : memref<16x256xf32, #tpu.memory_space<vmem>>, vector<1x256xf32>,
    %get3A_41 = arith.constant 4 : index
    %get3A_42 = arith.constant 0 : index
    %get3A_43 = vector.load %arg10[%get3A_41, %get3A_42] : memref<16x256xf32, #tpu.memory_space<vmem>>, vector<1x256xf32>
    %slice3A_44 = vector.extract_strided_slice %while3A_24#1 {offsets = [0, 0], sizes = [16, 256], strides = [1, 1]} : vector<17x256xf32> to vector<16x256xf32>
    %div3A = arith.divf %slice3A_44, %max3A_31 : vector<16x256xf32>
    %reduce_sum3A_45 = arith.constant dense<0.000000e+00> : vector<256xf32>
    %reduce_sum3A_46 = vector.multi_reduction <add>, %div3A, %reduce_sum3A_45 [0] : vector<16x256xf32> to vector<256xf32>
    %broadcast_in_dim3A_47 = vector.shape_cast %reduce_sum3A_46 : vector<256xf32> to vector<1x256xf32>
    %add3A_48 = arith.addf %get3A_43, %broadcast_in_dim3A_47 : vector<1x256xf32>
    %swap3A_49 = arith.constant 4 : index
    %swap3A_50 = arith.constant 0 : index
    %swap3A_51 = vector.load %arg10[%swap3A_49, %swap3A_50] : memref<16x256xf32, #tpu.memory_space<vmem>>, vector<1x256xf32>
    tpu.vector_store %arg10[%swap3A_49, %swap3A_50], %add3A_48 {strides = array<i32>} : memref<16x256xf32, #tpu.memory_space<vmem>>, vector<1x256xf32>,
    %get3A_52 = arith.constant 8 : index
    %get3A_53 = arith.constant 0 : index
    %get3A_54 = vector.load %arg10[%get3A_52, %get3A_53] : memref<16x256xf32, #tpu.memory_space<vmem>>, vector<1x256xf32>
    %slice3A_55 = vector.extract_strided_slice %while3A_24#2 {offsets = [0, 0], sizes = [16, 256], strides = [1, 1]} : vector<17x256xf32> to vector<16x256xf32>
    %div3A_56 = arith.divf %slice3A_55, %max3A_31 : vector<16x256xf32>
    %reduce_sum3A_57 = arith.constant dense<0.000000e+00> : vector<256xf32>
    %reduce_sum3A_58 = vector.multi_reduction <add>, %div3A_56, %reduce_sum3A_57 [0] : vector<16x256xf32> to vector<256xf32>
    %broadcast_in_dim3A_59 = vector.shape_cast %reduce_sum3A_58 : vector<256xf32> to vector<1x256xf32>
    %add3A_60 = arith.addf %get3A_54, %broadcast_in_dim3A_59 : vector<1x256xf32>
    %swap3A_61 = arith.constant 8 : index
    %swap3A_62 = arith.constant 0 : index
    %swap3A_63 = vector.load %arg10[%swap3A_61, %swap3A_62] : memref<16x256xf32, #tpu.memory_space<vmem>>, vector<1x256xf32>
    tpu.vector_store %arg10[%swap3A_61, %swap3A_62], %add3A_60 {strides = array<i32>} : memref<16x256xf32, #tpu.memory_space<vmem>>, vector<1x256xf32>,
    %slice3A_64 = vector.extract_strided_slice %mul3A_29 {offsets = [0, 0], sizes = [16, 256], strides = [1, 1]} : vector<17x256xf32> to vector<16x256xf32>
    %slice3A_65 = vector.extract_strided_slice %mul3A_29 {offsets = [1, 0], sizes = [16, 256], strides = [1, 1]} : vector<17x256xf32> to vector<16x256xf32>
    %add3A_66 = arith.addf %slice3A_64, %slice3A_65 : vector<16x256xf32>
    %slice3A_67 = vector.extract_strided_slice %add3A_66 {offsets = [0, 1], sizes = [16, 255], strides = [1, 1]} : vector<16x256xf32> to vector<16x255xf32>
    %broadcast_in_dim3A_68 = arith.constant 0.000000e+00 : f32
    %broadcast_in_dim3A_69 = vector.broadcast %broadcast_in_dim3A_68 : f32 to vector<16x1xf32>
    %concatenate3A = tpu.concatenate %slice3A_67, %broadcast_in_dim3A_69 in 1 : vector<16x255xf32>, vector<16x1xf32> -> vector<16x256xf32>
    %add3A_70 = arith.addf %add3A_66, %concatenate3A : vector<16x256xf32>
    %mul3A_71 = arith.constant 2.500000e-01 : f32
    %mul3A_72 = vector.broadcast %mul3A_71 : f32 to vector<16x256xf32>
    %mul3A_73 = arith.mulf %add3A_70, %mul3A_72 : vector<16x256xf32>
    %reshape3A = vector.shape_cast %mul3A_73 : vector<16x256xf32> to vector<1x4096xf32>
    %swap3A_74 = arith.constant 0 : index
    %swap3A_75 = arith.constant 0 : index
    %swap3A_76 = vector.load %arg11[%swap3A_74, %swap3A_75] : memref<8x4096xf32, #tpu.memory_space<vmem>>, vector<1x4096xf32>
    tpu.vector_store %arg11[%swap3A_74, %swap3A_75], %reshape3A {strides = array<i32>} : memref<8x4096xf32, #tpu.memory_space<vmem>>, vector<1x4096xf32>,
    %broadcast_in_dim3A_77 = arith.constant 0.000000e+00 : f32
    %broadcast_in_dim3A_78 = vector.broadcast %broadcast_in_dim3A_77 : f32 to vector<17x256xf32>
    %get3A_79 = arith.index_cast %arg0 : i32 to index
    %get3A_80 = arith.constant 1 : index
    %get3A_81 = memref.load %arg3[%get3A_79, %get3A_80] : memref<16x4xi32, #tpu.memory_space<smem>>
    %while3A_82 = arith.constant 0 : i32
    %while3A_83 = arith.subi %get3A_81, %while3A_82 : i32
    %while3A_84 = arith.addi %while3A_82, %while3A_83 : i32
    %while3A_85 = arith.constant 1 : i32
    %while3A_86 = arith.divsi %while3A_83, %while3A_85 : i32
    %while3A_87 = arith.muli %while3A_86, %while3A_85 : i32
    %while3A_88 = arith.addi %while3A_82, %while3A_87 : i32
    %while3A_89 = arith.constant 1 : i32
    %while3A_90:3 = scf.for %while3A_324 = %while3A_82 to %while3A_88 step %while3A_89 iter_args(%while3A_325 = %broadcast_in_dim3A_78, %while3A_326 = %broadcast_in_dim3A_78, %while3A_327 = %broadcast_in_dim3A_78) -> (vector<17x256xf32>, vector<17x256xf32>, vector<17x256xf32>)  : i32 {
      %get3A_328 = arith.index_cast %arg0 : i32 to index
      %get3A_329 = arith.constant 1 : index
      %get3A_330 = arith.index_cast %while3A_324 : i32 to index
      %get3A_331 = memref.load %arg2[%get3A_328, %get3A_329, %get3A_330] : memref<16x4x32xi32, #tpu.memory_space<smem>>
      %get3A_332 = arith.constant 1 : index
      %get3A_333 = arith.index_cast %get3A_331 : i32 to index
      %get3A_334 = arith.constant 0 : index
      %get3A_335 = memref.load %arg1[%get3A_332, %get3A_333, %get3A_334] : memref<4x32x8xf32, #tpu.memory_space<smem>>
      %get3A_336 = arith.constant 1 : index
      %get3A_337 = arith.index_cast %get3A_331 : i32 to index
      %get3A_338 = arith.constant 1 : index
      %get3A_339 = memref.load %arg1[%get3A_336, %get3A_337, %get3A_338] : memref<4x32x8xf32, #tpu.memory_space<smem>>
      %get3A_340 = arith.constant 1 : index
      %get3A_341 = arith.index_cast %get3A_331 : i32 to index
      %get3A_342 = arith.constant 2 : index
      %get3A_343 = memref.load %arg1[%get3A_340, %get3A_341, %get3A_342] : memref<4x32x8xf32, #tpu.memory_space<smem>>
      %get3A_344 = arith.constant 1 : index
      %get3A_345 = arith.index_cast %get3A_331 : i32 to index
      %get3A_346 = arith.constant 3 : index
      %get3A_347 = memref.load %arg1[%get3A_344, %get3A_345, %get3A_346] : memref<4x32x8xf32, #tpu.memory_space<smem>>
      %get3A_348 = arith.constant 1 : index
      %get3A_349 = arith.index_cast %get3A_331 : i32 to index
      %get3A_350 = arith.constant 4 : index
      %get3A_351 = memref.load %arg1[%get3A_348, %get3A_349, %get3A_350] : memref<4x32x8xf32, #tpu.memory_space<smem>>
      %get3A_352 = arith.constant 1 : index
      %get3A_353 = arith.index_cast %get3A_331 : i32 to index
      %get3A_354 = arith.constant 5 : index
      %get3A_355 = memref.load %arg1[%get3A_352, %get3A_353, %get3A_354] : memref<4x32x8xf32, #tpu.memory_space<smem>>
      %get3A_356 = arith.constant 1 : index
      %get3A_357 = arith.index_cast %get3A_331 : i32 to index
      %get3A_358 = arith.constant 6 : index
      %get3A_359 = memref.load %arg1[%get3A_356, %get3A_357, %get3A_358] : memref<4x32x8xf32, #tpu.memory_space<smem>>
      %get3A_360 = arith.constant 1 : index
      %get3A_361 = arith.index_cast %get3A_331 : i32 to index
      %get3A_362 = arith.constant 7 : index
      %get3A_363 = memref.load %arg1[%get3A_360, %get3A_361, %get3A_362] : memref<4x32x8xf32, #tpu.memory_space<smem>>
      %sub3A = vector.broadcast %get3A_335 : f32 to vector<17x256xf32>
      %sub3A_364 = arith.subf %add3A_5, %sub3A : vector<17x256xf32>
      %sub3A_365 = vector.broadcast %get3A_339 : f32 to vector<17x256xf32>
      %sub3A_366 = arith.subf %convert_element_type3A_7, %sub3A_365 : vector<17x256xf32>
      %mul3A_367 = vector.broadcast %get3A_351 : f32 to vector<17x256xf32>
      %mul3A_368 = arith.mulf %sub3A_364, %mul3A_367 : vector<17x256xf32>
      %mul3A_369 = vector.broadcast %get3A_355 : f32 to vector<17x256xf32>
      %mul3A_370 = arith.mulf %sub3A_366, %mul3A_369 : vector<17x256xf32>
      %add3A_371 = arith.addf %mul3A_368, %mul3A_370 : vector<17x256xf32>
      %abs3A = math.absf %add3A_371 : vector<17x256xf32>
      %mul3A_372 = vector.broadcast %get3A_359 : f32 to vector<17x256xf32>
      %mul3A_373 = arith.mulf %sub3A_364, %mul3A_372 : vector<17x256xf32>
      %mul3A_374 = vector.broadcast %get3A_363 : f32 to vector<17x256xf32>
      %mul3A_375 = arith.mulf %sub3A_366, %mul3A_374 : vector<17x256xf32>
      %add3A_376 = arith.addf %mul3A_373, %mul3A_375 : vector<17x256xf32>
      %mul3A_377 = arith.mulf %sub3A_364, %sub3A_364 : vector<17x256xf32>
      %mul3A_378 = arith.mulf %sub3A_366, %sub3A_366 : vector<17x256xf32>
      %add3A_379 = arith.addf %mul3A_377, %mul3A_378 : vector<17x256xf32>
      %sub3A_380 = vector.broadcast %get3A_343 : f32 to vector<17x256xf32>
      %sub3A_381 = arith.subf %add3A_5, %sub3A_380 : vector<17x256xf32>
      %sub3A_382 = vector.broadcast %get3A_347 : f32 to vector<17x256xf32>
      %sub3A_383 = arith.subf %convert_element_type3A_7, %sub3A_382 : vector<17x256xf32>
      %mul3A_384 = arith.mulf %sub3A_381, %sub3A_381 : vector<17x256xf32>
      %mul3A_385 = arith.mulf %sub3A_383, %sub3A_383 : vector<17x256xf32>
      %add3A_386 = arith.addf %mul3A_384, %mul3A_385 : vector<17x256xf32>
      %le3A_387 = arith.constant 1.500000e+01 : f32
      %le3A_388 = vector.broadcast %le3A_387 : f32 to vector<17x256xf32>
      %le3A_389 = arith.cmpf ole, %abs3A, %le3A_388 : vector<17x256xf32>
      %ge3A = arith.constant 0.000000e+00 : f32
      %ge3A_390 = vector.broadcast %ge3A : f32 to vector<17x256xf32>
      %ge3A_391 = arith.cmpf oge, %add3A_376, %ge3A_390 : vector<17x256xf32>
      %and3A = arith.andi %le3A_389, %ge3A_391 : vector<17x256xi1>
      %le3A_392 = arith.constant 1.000000e+00 : f32
      %le3A_393 = vector.broadcast %le3A_392 : f32 to vector<17x256xf32>
      %le3A_394 = arith.cmpf ole, %add3A_376, %le3A_393 : vector<17x256xf32>
      %and3A_395 = arith.andi %and3A, %le3A_394 : vector<17x256xi1>
      %le3A_396 = arith.constant 2.250000e+02 : f32
      %le3A_397 = vector.broadcast %le3A_396 : f32 to vector<17x256xf32>
      %le3A_398 = arith.cmpf ole, %add3A_379, %le3A_397 : vector<17x256xf32>
      %or3A = arith.ori %and3A_395, %le3A_398 : vector<17x256xi1>
      %le3A_399 = arith.constant 2.250000e+02 : f32
      %le3A_400 = vector.broadcast %le3A_399 : f32 to vector<17x256xf32>
      %le3A_401 = arith.cmpf ole, %add3A_386, %le3A_400 : vector<17x256xf32>
      %or3A_402 = arith.ori %or3A, %le3A_401 : vector<17x256xi1>
      %convert_element_type3A_403 = arith.extui %or3A_402 : vector<17x256xi1> to vector<17x256xi32>
      %convert_element_type3A_404 = arith.sitofp %convert_element_type3A_403 : vector<17x256xi32> to vector<17x256xf32>
      %add3A_405 = arith.addf %while3A_325, %convert_element_type3A_404 : vector<17x256xf32>
      %sub3A_406 = arith.constant 1.000000e+00 : f32
      %sub3A_407 = vector.broadcast %sub3A_406 : f32 to vector<17x256xf32>
      %sub3A_408 = arith.subf %sub3A_407, %add3A_376 : vector<17x256xf32>
      %max3A_409 = arith.maximumf %add3A_376, %sub3A_408 : vector<17x256xf32>
      %mul3A_410 = arith.mulf %convert_element_type3A_404, %max3A_409 : vector<17x256xf32>
      %add3A_411 = arith.addf %while3A_326, %mul3A_410 : vector<17x256xf32>
      %mul3A_412 = arith.constant 0.0666666701 : f32
      %mul3A_413 = vector.broadcast %mul3A_412 : f32 to vector<17x256xf32>
      %mul3A_414 = arith.mulf %abs3A, %mul3A_413 : vector<17x256xf32>
      %sub3A_415 = arith.constant 1.000000e+00 : f32
      %sub3A_416 = vector.broadcast %sub3A_415 : f32 to vector<17x256xf32>
      %sub3A_417 = arith.subf %sub3A_416, %mul3A_414 : vector<17x256xf32>
      %mul3A_418 = arith.mulf %convert_element_type3A_404, %sub3A_417 : vector<17x256xf32>
      %add3A_419 = arith.addf %while3A_327, %mul3A_418 : vector<17x256xf32>
      scf.yield %add3A_405, %add3A_411, %add3A_419 : vector<17x256xf32>, vector<17x256xf32>, vector<17x256xf32>
    }
    %while3A_91 = arith.constant 1 : i32
    %while3A_92:3 = scf.for %while3A_324 = %while3A_88 to %while3A_84 step %while3A_91 iter_args(%while3A_325 = %while3A_90#0, %while3A_326 = %while3A_90#1, %while3A_327 = %while3A_90#2) -> (vector<17x256xf32>, vector<17x256xf32>, vector<17x256xf32>)  : i32 {
      %get3A_328 = arith.index_cast %arg0 : i32 to index
      %get3A_329 = arith.constant 1 : index
      %get3A_330 = arith.index_cast %while3A_324 : i32 to index
      %get3A_331 = memref.load %arg2[%get3A_328, %get3A_329, %get3A_330] : memref<16x4x32xi32, #tpu.memory_space<smem>>
      %get3A_332 = arith.constant 1 : index
      %get3A_333 = arith.index_cast %get3A_331 : i32 to index
      %get3A_334 = arith.constant 0 : index
      %get3A_335 = memref.load %arg1[%get3A_332, %get3A_333, %get3A_334] : memref<4x32x8xf32, #tpu.memory_space<smem>>
      %get3A_336 = arith.constant 1 : index
      %get3A_337 = arith.index_cast %get3A_331 : i32 to index
      %get3A_338 = arith.constant 1 : index
      %get3A_339 = memref.load %arg1[%get3A_336, %get3A_337, %get3A_338] : memref<4x32x8xf32, #tpu.memory_space<smem>>
      %get3A_340 = arith.constant 1 : index
      %get3A_341 = arith.index_cast %get3A_331 : i32 to index
      %get3A_342 = arith.constant 2 : index
      %get3A_343 = memref.load %arg1[%get3A_340, %get3A_341, %get3A_342] : memref<4x32x8xf32, #tpu.memory_space<smem>>
      %get3A_344 = arith.constant 1 : index
      %get3A_345 = arith.index_cast %get3A_331 : i32 to index
      %get3A_346 = arith.constant 3 : index
      %get3A_347 = memref.load %arg1[%get3A_344, %get3A_345, %get3A_346] : memref<4x32x8xf32, #tpu.memory_space<smem>>
      %get3A_348 = arith.constant 1 : index
      %get3A_349 = arith.index_cast %get3A_331 : i32 to index
      %get3A_350 = arith.constant 4 : index
      %get3A_351 = memref.load %arg1[%get3A_348, %get3A_349, %get3A_350] : memref<4x32x8xf32, #tpu.memory_space<smem>>
      %get3A_352 = arith.constant 1 : index
      %get3A_353 = arith.index_cast %get3A_331 : i32 to index
      %get3A_354 = arith.constant 5 : index
      %get3A_355 = memref.load %arg1[%get3A_352, %get3A_353, %get3A_354] : memref<4x32x8xf32, #tpu.memory_space<smem>>
      %get3A_356 = arith.constant 1 : index
      %get3A_357 = arith.index_cast %get3A_331 : i32 to index
      %get3A_358 = arith.constant 6 : index
      %get3A_359 = memref.load %arg1[%get3A_356, %get3A_357, %get3A_358] : memref<4x32x8xf32, #tpu.memory_space<smem>>
      %get3A_360 = arith.constant 1 : index
      %get3A_361 = arith.index_cast %get3A_331 : i32 to index
      %get3A_362 = arith.constant 7 : index
      %get3A_363 = memref.load %arg1[%get3A_360, %get3A_361, %get3A_362] : memref<4x32x8xf32, #tpu.memory_space<smem>>
      %sub3A = vector.broadcast %get3A_335 : f32 to vector<17x256xf32>
      %sub3A_364 = arith.subf %add3A_5, %sub3A : vector<17x256xf32>
      %sub3A_365 = vector.broadcast %get3A_339 : f32 to vector<17x256xf32>
      %sub3A_366 = arith.subf %convert_element_type3A_7, %sub3A_365 : vector<17x256xf32>
      %mul3A_367 = vector.broadcast %get3A_351 : f32 to vector<17x256xf32>
      %mul3A_368 = arith.mulf %sub3A_364, %mul3A_367 : vector<17x256xf32>
      %mul3A_369 = vector.broadcast %get3A_355 : f32 to vector<17x256xf32>
      %mul3A_370 = arith.mulf %sub3A_366, %mul3A_369 : vector<17x256xf32>
      %add3A_371 = arith.addf %mul3A_368, %mul3A_370 : vector<17x256xf32>
      %abs3A = math.absf %add3A_371 : vector<17x256xf32>
      %mul3A_372 = vector.broadcast %get3A_359 : f32 to vector<17x256xf32>
      %mul3A_373 = arith.mulf %sub3A_364, %mul3A_372 : vector<17x256xf32>
      %mul3A_374 = vector.broadcast %get3A_363 : f32 to vector<17x256xf32>
      %mul3A_375 = arith.mulf %sub3A_366, %mul3A_374 : vector<17x256xf32>
      %add3A_376 = arith.addf %mul3A_373, %mul3A_375 : vector<17x256xf32>
      %mul3A_377 = arith.mulf %sub3A_364, %sub3A_364 : vector<17x256xf32>
      %mul3A_378 = arith.mulf %sub3A_366, %sub3A_366 : vector<17x256xf32>
      %add3A_379 = arith.addf %mul3A_377, %mul3A_378 : vector<17x256xf32>
      %sub3A_380 = vector.broadcast %get3A_343 : f32 to vector<17x256xf32>
      %sub3A_381 = arith.subf %add3A_5, %sub3A_380 : vector<17x256xf32>
      %sub3A_382 = vector.broadcast %get3A_347 : f32 to vector<17x256xf32>
      %sub3A_383 = arith.subf %convert_element_type3A_7, %sub3A_382 : vector<17x256xf32>
      %mul3A_384 = arith.mulf %sub3A_381, %sub3A_381 : vector<17x256xf32>
      %mul3A_385 = arith.mulf %sub3A_383, %sub3A_383 : vector<17x256xf32>
      %add3A_386 = arith.addf %mul3A_384, %mul3A_385 : vector<17x256xf32>
      %le3A_387 = arith.constant 1.500000e+01 : f32
      %le3A_388 = vector.broadcast %le3A_387 : f32 to vector<17x256xf32>
      %le3A_389 = arith.cmpf ole, %abs3A, %le3A_388 : vector<17x256xf32>
      %ge3A = arith.constant 0.000000e+00 : f32
      %ge3A_390 = vector.broadcast %ge3A : f32 to vector<17x256xf32>
      %ge3A_391 = arith.cmpf oge, %add3A_376, %ge3A_390 : vector<17x256xf32>
      %and3A = arith.andi %le3A_389, %ge3A_391 : vector<17x256xi1>
      %le3A_392 = arith.constant 1.000000e+00 : f32
      %le3A_393 = vector.broadcast %le3A_392 : f32 to vector<17x256xf32>
      %le3A_394 = arith.cmpf ole, %add3A_376, %le3A_393 : vector<17x256xf32>
      %and3A_395 = arith.andi %and3A, %le3A_394 : vector<17x256xi1>
      %le3A_396 = arith.constant 2.250000e+02 : f32
      %le3A_397 = vector.broadcast %le3A_396 : f32 to vector<17x256xf32>
      %le3A_398 = arith.cmpf ole, %add3A_379, %le3A_397 : vector<17x256xf32>
      %or3A = arith.ori %and3A_395, %le3A_398 : vector<17x256xi1>
      %le3A_399 = arith.constant 2.250000e+02 : f32
      %le3A_400 = vector.broadcast %le3A_399 : f32 to vector<17x256xf32>
      %le3A_401 = arith.cmpf ole, %add3A_386, %le3A_400 : vector<17x256xf32>
      %or3A_402 = arith.ori %or3A, %le3A_401 : vector<17x256xi1>
      %convert_element_type3A_403 = arith.extui %or3A_402 : vector<17x256xi1> to vector<17x256xi32>
      %convert_element_type3A_404 = arith.sitofp %convert_element_type3A_403 : vector<17x256xi32> to vector<17x256xf32>
      %add3A_405 = arith.addf %while3A_325, %convert_element_type3A_404 : vector<17x256xf32>
      %sub3A_406 = arith.constant 1.000000e+00 : f32
      %sub3A_407 = vector.broadcast %sub3A_406 : f32 to vector<17x256xf32>
      %sub3A_408 = arith.subf %sub3A_407, %add3A_376 : vector<17x256xf32>
      %max3A_409 = arith.maximumf %add3A_376, %sub3A_408 : vector<17x256xf32>
      %mul3A_410 = arith.mulf %convert_element_type3A_404, %max3A_409 : vector<17x256xf32>
      %add3A_411 = arith.addf %while3A_326, %mul3A_410 : vector<17x256xf32>
      %mul3A_412 = arith.constant 0.0666666701 : f32
      %mul3A_413 = vector.broadcast %mul3A_412 : f32 to vector<17x256xf32>
      %mul3A_414 = arith.mulf %abs3A, %mul3A_413 : vector<17x256xf32>
      %sub3A_415 = arith.constant 1.000000e+00 : f32
      %sub3A_416 = vector.broadcast %sub3A_415 : f32 to vector<17x256xf32>
      %sub3A_417 = arith.subf %sub3A_416, %mul3A_414 : vector<17x256xf32>
      %mul3A_418 = arith.mulf %convert_element_type3A_404, %sub3A_417 : vector<17x256xf32>
      %add3A_419 = arith.addf %while3A_327, %mul3A_418 : vector<17x256xf32>
      scf.yield %add3A_405, %add3A_411, %add3A_419 : vector<17x256xf32>, vector<17x256xf32>, vector<17x256xf32>
    }
    %gt3A_93 = arith.constant 0.000000e+00 : f32
    %gt3A_94 = vector.broadcast %gt3A_93 : f32 to vector<17x256xf32>
    %gt3A_95 = arith.cmpf ogt, %while3A_92#0, %gt3A_94 : vector<17x256xf32>
    %convert_element_type3A_96 = arith.extui %gt3A_95 : vector<17x256xi1> to vector<17x256xi32>
    %convert_element_type3A_97 = arith.sitofp %convert_element_type3A_96 : vector<17x256xi32> to vector<17x256xf32>
    %mul3A_98 = arith.mulf %convert_element_type3A_97, %convert_element_type3A_11 : vector<17x256xf32>
    %slice3A_99 = vector.extract_strided_slice %while3A_92#0 {offsets = [0, 0], sizes = [16, 256], strides = [1, 1]} : vector<17x256xf32> to vector<16x256xf32>
    %max3A_100 = arith.constant 9.99999974E-5 : f32
    %max3A_101 = vector.broadcast %max3A_100 : f32 to vector<16x256xf32>
    %max3A_102 = arith.maximumf %slice3A_99, %max3A_101 : vector<16x256xf32>
    %get3A_103 = arith.constant 1 : index
    %get3A_104 = arith.constant 0 : index
    %get3A_105 = vector.load %arg10[%get3A_103, %get3A_104] : memref<16x256xf32, #tpu.memory_space<vmem>>, vector<1x256xf32>
    %slice3A_106 = vector.extract_strided_slice %mul3A_98 {offsets = [0, 0], sizes = [16, 256], strides = [1, 1]} : vector<17x256xf32> to vector<16x256xf32>
    %reduce_sum3A_107 = arith.constant dense<0.000000e+00> : vector<256xf32>
    %reduce_sum3A_108 = vector.multi_reduction <add>, %slice3A_106, %reduce_sum3A_107 [0] : vector<16x256xf32> to vector<256xf32>
    %broadcast_in_dim3A_109 = vector.shape_cast %reduce_sum3A_108 : vector<256xf32> to vector<1x256xf32>
    %add3A_110 = arith.addf %get3A_105, %broadcast_in_dim3A_109 : vector<1x256xf32>
    %swap3A_111 = arith.constant 1 : index
    %swap3A_112 = arith.constant 0 : index
    %swap3A_113 = vector.load %arg10[%swap3A_111, %swap3A_112] : memref<16x256xf32, #tpu.memory_space<vmem>>, vector<1x256xf32>
    tpu.vector_store %arg10[%swap3A_111, %swap3A_112], %add3A_110 {strides = array<i32>} : memref<16x256xf32, #tpu.memory_space<vmem>>, vector<1x256xf32>,
    %get3A_114 = arith.constant 5 : index
    %get3A_115 = arith.constant 0 : index
    %get3A_116 = vector.load %arg10[%get3A_114, %get3A_115] : memref<16x256xf32, #tpu.memory_space<vmem>>, vector<1x256xf32>
    %slice3A_117 = vector.extract_strided_slice %while3A_92#1 {offsets = [0, 0], sizes = [16, 256], strides = [1, 1]} : vector<17x256xf32> to vector<16x256xf32>
    %div3A_118 = arith.divf %slice3A_117, %max3A_102 : vector<16x256xf32>
    %reduce_sum3A_119 = arith.constant dense<0.000000e+00> : vector<256xf32>
    %reduce_sum3A_120 = vector.multi_reduction <add>, %div3A_118, %reduce_sum3A_119 [0] : vector<16x256xf32> to vector<256xf32>
    %broadcast_in_dim3A_121 = vector.shape_cast %reduce_sum3A_120 : vector<256xf32> to vector<1x256xf32>
    %add3A_122 = arith.addf %get3A_116, %broadcast_in_dim3A_121 : vector<1x256xf32>
    %swap3A_123 = arith.constant 5 : index
    %swap3A_124 = arith.constant 0 : index
    %swap3A_125 = vector.load %arg10[%swap3A_123, %swap3A_124] : memref<16x256xf32, #tpu.memory_space<vmem>>, vector<1x256xf32>
    tpu.vector_store %arg10[%swap3A_123, %swap3A_124], %add3A_122 {strides = array<i32>} : memref<16x256xf32, #tpu.memory_space<vmem>>, vector<1x256xf32>,
    %get3A_126 = arith.constant 9 : index
    %get3A_127 = arith.constant 0 : index
    %get3A_128 = vector.load %arg10[%get3A_126, %get3A_127] : memref<16x256xf32, #tpu.memory_space<vmem>>, vector<1x256xf32>
    %slice3A_129 = vector.extract_strided_slice %while3A_92#2 {offsets = [0, 0], sizes = [16, 256], strides = [1, 1]} : vector<17x256xf32> to vector<16x256xf32>
    %div3A_130 = arith.divf %slice3A_129, %max3A_102 : vector<16x256xf32>
    %reduce_sum3A_131 = arith.constant dense<0.000000e+00> : vector<256xf32>
    %reduce_sum3A_132 = vector.multi_reduction <add>, %div3A_130, %reduce_sum3A_131 [0] : vector<16x256xf32> to vector<256xf32>
    %broadcast_in_dim3A_133 = vector.shape_cast %reduce_sum3A_132 : vector<256xf32> to vector<1x256xf32>
    %add3A_134 = arith.addf %get3A_128, %broadcast_in_dim3A_133 : vector<1x256xf32>
    %swap3A_135 = arith.constant 9 : index
    %swap3A_136 = arith.constant 0 : index
    %swap3A_137 = vector.load %arg10[%swap3A_135, %swap3A_136] : memref<16x256xf32, #tpu.memory_space<vmem>>, vector<1x256xf32>
    tpu.vector_store %arg10[%swap3A_135, %swap3A_136], %add3A_134 {strides = array<i32>} : memref<16x256xf32, #tpu.memory_space<vmem>>, vector<1x256xf32>,
    %slice3A_138 = vector.extract_strided_slice %mul3A_98 {offsets = [0, 0], sizes = [16, 256], strides = [1, 1]} : vector<17x256xf32> to vector<16x256xf32>
    %slice3A_139 = vector.extract_strided_slice %mul3A_98 {offsets = [1, 0], sizes = [16, 256], strides = [1, 1]} : vector<17x256xf32> to vector<16x256xf32>
    %add3A_140 = arith.addf %slice3A_138, %slice3A_139 : vector<16x256xf32>
    %slice3A_141 = vector.extract_strided_slice %add3A_140 {offsets = [0, 1], sizes = [16, 255], strides = [1, 1]} : vector<16x256xf32> to vector<16x255xf32>
    %broadcast_in_dim3A_142 = arith.constant 0.000000e+00 : f32
    %broadcast_in_dim3A_143 = vector.broadcast %broadcast_in_dim3A_142 : f32 to vector<16x1xf32>
    %concatenate3A_144 = tpu.concatenate %slice3A_141, %broadcast_in_dim3A_143 in 1 : vector<16x255xf32>, vector<16x1xf32> -> vector<16x256xf32>
    %add3A_145 = arith.addf %add3A_140, %concatenate3A_144 : vector<16x256xf32>
    %mul3A_146 = arith.constant 2.500000e-01 : f32
    %mul3A_147 = vector.broadcast %mul3A_146 : f32 to vector<16x256xf32>
    %mul3A_148 = arith.mulf %add3A_145, %mul3A_147 : vector<16x256xf32>
    %reshape3A_149 = vector.shape_cast %mul3A_148 : vector<16x256xf32> to vector<1x4096xf32>
    %swap3A_150 = arith.constant 1 : index
    %swap3A_151 = arith.constant 0 : index
    %swap3A_152 = vector.load %arg11[%swap3A_150, %swap3A_151] : memref<8x4096xf32, #tpu.memory_space<vmem>>, vector<1x4096xf32>
    tpu.vector_store %arg11[%swap3A_150, %swap3A_151], %reshape3A_149 {strides = array<i32>} : memref<8x4096xf32, #tpu.memory_space<vmem>>, vector<1x4096xf32>,
    %broadcast_in_dim3A_153 = arith.constant 0.000000e+00 : f32
    %broadcast_in_dim3A_154 = vector.broadcast %broadcast_in_dim3A_153 : f32 to vector<17x256xf32>
    %get3A_155 = arith.index_cast %arg0 : i32 to index
    %get3A_156 = arith.constant 2 : index
    %get3A_157 = memref.load %arg3[%get3A_155, %get3A_156] : memref<16x4xi32, #tpu.memory_space<smem>>
    %while3A_158 = arith.constant 0 : i32
    %while3A_159 = arith.subi %get3A_157, %while3A_158 : i32
    %while3A_160 = arith.addi %while3A_158, %while3A_159 : i32
    %while3A_161 = arith.constant 1 : i32
    %while3A_162 = arith.divsi %while3A_159, %while3A_161 : i32
    %while3A_163 = arith.muli %while3A_162, %while3A_161 : i32
    %while3A_164 = arith.addi %while3A_158, %while3A_163 : i32
    %while3A_165 = arith.constant 1 : i32
    %while3A_166:3 = scf.for %while3A_324 = %while3A_158 to %while3A_164 step %while3A_165 iter_args(%while3A_325 = %broadcast_in_dim3A_154, %while3A_326 = %broadcast_in_dim3A_154, %while3A_327 = %broadcast_in_dim3A_154) -> (vector<17x256xf32>, vector<17x256xf32>, vector<17x256xf32>)  : i32 {
      %get3A_328 = arith.index_cast %arg0 : i32 to index
      %get3A_329 = arith.constant 2 : index
      %get3A_330 = arith.index_cast %while3A_324 : i32 to index
      %get3A_331 = memref.load %arg2[%get3A_328, %get3A_329, %get3A_330] : memref<16x4x32xi32, #tpu.memory_space<smem>>
      %get3A_332 = arith.constant 2 : index
      %get3A_333 = arith.index_cast %get3A_331 : i32 to index
      %get3A_334 = arith.constant 0 : index
      %get3A_335 = memref.load %arg1[%get3A_332, %get3A_333, %get3A_334] : memref<4x32x8xf32, #tpu.memory_space<smem>>
      %get3A_336 = arith.constant 2 : index
      %get3A_337 = arith.index_cast %get3A_331 : i32 to index
      %get3A_338 = arith.constant 1 : index
      %get3A_339 = memref.load %arg1[%get3A_336, %get3A_337, %get3A_338] : memref<4x32x8xf32, #tpu.memory_space<smem>>
      %get3A_340 = arith.constant 2 : index
      %get3A_341 = arith.index_cast %get3A_331 : i32 to index
      %get3A_342 = arith.constant 2 : index
      %get3A_343 = memref.load %arg1[%get3A_340, %get3A_341, %get3A_342] : memref<4x32x8xf32, #tpu.memory_space<smem>>
      %get3A_344 = arith.constant 2 : index
      %get3A_345 = arith.index_cast %get3A_331 : i32 to index
      %get3A_346 = arith.constant 3 : index
      %get3A_347 = memref.load %arg1[%get3A_344, %get3A_345, %get3A_346] : memref<4x32x8xf32, #tpu.memory_space<smem>>
      %get3A_348 = arith.constant 2 : index
      %get3A_349 = arith.index_cast %get3A_331 : i32 to index
      %get3A_350 = arith.constant 4 : index
      %get3A_351 = memref.load %arg1[%get3A_348, %get3A_349, %get3A_350] : memref<4x32x8xf32, #tpu.memory_space<smem>>
      %get3A_352 = arith.constant 2 : index
      %get3A_353 = arith.index_cast %get3A_331 : i32 to index
      %get3A_354 = arith.constant 5 : index
      %get3A_355 = memref.load %arg1[%get3A_352, %get3A_353, %get3A_354] : memref<4x32x8xf32, #tpu.memory_space<smem>>
      %get3A_356 = arith.constant 2 : index
      %get3A_357 = arith.index_cast %get3A_331 : i32 to index
      %get3A_358 = arith.constant 6 : index
      %get3A_359 = memref.load %arg1[%get3A_356, %get3A_357, %get3A_358] : memref<4x32x8xf32, #tpu.memory_space<smem>>
      %get3A_360 = arith.constant 2 : index
      %get3A_361 = arith.index_cast %get3A_331 : i32 to index
      %get3A_362 = arith.constant 7 : index
      %get3A_363 = memref.load %arg1[%get3A_360, %get3A_361, %get3A_362] : memref<4x32x8xf32, #tpu.memory_space<smem>>
      %sub3A = vector.broadcast %get3A_335 : f32 to vector<17x256xf32>
      %sub3A_364 = arith.subf %add3A_5, %sub3A : vector<17x256xf32>
      %sub3A_365 = vector.broadcast %get3A_339 : f32 to vector<17x256xf32>
      %sub3A_366 = arith.subf %convert_element_type3A_7, %sub3A_365 : vector<17x256xf32>
      %mul3A_367 = vector.broadcast %get3A_351 : f32 to vector<17x256xf32>
      %mul3A_368 = arith.mulf %sub3A_364, %mul3A_367 : vector<17x256xf32>
      %mul3A_369 = vector.broadcast %get3A_355 : f32 to vector<17x256xf32>
      %mul3A_370 = arith.mulf %sub3A_366, %mul3A_369 : vector<17x256xf32>
      %add3A_371 = arith.addf %mul3A_368, %mul3A_370 : vector<17x256xf32>
      %abs3A = math.absf %add3A_371 : vector<17x256xf32>
      %mul3A_372 = vector.broadcast %get3A_359 : f32 to vector<17x256xf32>
      %mul3A_373 = arith.mulf %sub3A_364, %mul3A_372 : vector<17x256xf32>
      %mul3A_374 = vector.broadcast %get3A_363 : f32 to vector<17x256xf32>
      %mul3A_375 = arith.mulf %sub3A_366, %mul3A_374 : vector<17x256xf32>
      %add3A_376 = arith.addf %mul3A_373, %mul3A_375 : vector<17x256xf32>
      %mul3A_377 = arith.mulf %sub3A_364, %sub3A_364 : vector<17x256xf32>
      %mul3A_378 = arith.mulf %sub3A_366, %sub3A_366 : vector<17x256xf32>
      %add3A_379 = arith.addf %mul3A_377, %mul3A_378 : vector<17x256xf32>
      %sub3A_380 = vector.broadcast %get3A_343 : f32 to vector<17x256xf32>
      %sub3A_381 = arith.subf %add3A_5, %sub3A_380 : vector<17x256xf32>
      %sub3A_382 = vector.broadcast %get3A_347 : f32 to vector<17x256xf32>
      %sub3A_383 = arith.subf %convert_element_type3A_7, %sub3A_382 : vector<17x256xf32>
      %mul3A_384 = arith.mulf %sub3A_381, %sub3A_381 : vector<17x256xf32>
      %mul3A_385 = arith.mulf %sub3A_383, %sub3A_383 : vector<17x256xf32>
      %add3A_386 = arith.addf %mul3A_384, %mul3A_385 : vector<17x256xf32>
      %le3A_387 = arith.constant 1.500000e+01 : f32
      %le3A_388 = vector.broadcast %le3A_387 : f32 to vector<17x256xf32>
      %le3A_389 = arith.cmpf ole, %abs3A, %le3A_388 : vector<17x256xf32>
      %ge3A = arith.constant 0.000000e+00 : f32
      %ge3A_390 = vector.broadcast %ge3A : f32 to vector<17x256xf32>
      %ge3A_391 = arith.cmpf oge, %add3A_376, %ge3A_390 : vector<17x256xf32>
      %and3A = arith.andi %le3A_389, %ge3A_391 : vector<17x256xi1>
      %le3A_392 = arith.constant 1.000000e+00 : f32
      %le3A_393 = vector.broadcast %le3A_392 : f32 to vector<17x256xf32>
      %le3A_394 = arith.cmpf ole, %add3A_376, %le3A_393 : vector<17x256xf32>
      %and3A_395 = arith.andi %and3A, %le3A_394 : vector<17x256xi1>
      %le3A_396 = arith.constant 2.250000e+02 : f32
      %le3A_397 = vector.broadcast %le3A_396 : f32 to vector<17x256xf32>
      %le3A_398 = arith.cmpf ole, %add3A_379, %le3A_397 : vector<17x256xf32>
      %or3A = arith.ori %and3A_395, %le3A_398 : vector<17x256xi1>
      %le3A_399 = arith.constant 2.250000e+02 : f32
      %le3A_400 = vector.broadcast %le3A_399 : f32 to vector<17x256xf32>
      %le3A_401 = arith.cmpf ole, %add3A_386, %le3A_400 : vector<17x256xf32>
      %or3A_402 = arith.ori %or3A, %le3A_401 : vector<17x256xi1>
      %convert_element_type3A_403 = arith.extui %or3A_402 : vector<17x256xi1> to vector<17x256xi32>
      %convert_element_type3A_404 = arith.sitofp %convert_element_type3A_403 : vector<17x256xi32> to vector<17x256xf32>
      %add3A_405 = arith.addf %while3A_325, %convert_element_type3A_404 : vector<17x256xf32>
      %sub3A_406 = arith.constant 1.000000e+00 : f32
      %sub3A_407 = vector.broadcast %sub3A_406 : f32 to vector<17x256xf32>
      %sub3A_408 = arith.subf %sub3A_407, %add3A_376 : vector<17x256xf32>
      %max3A_409 = arith.maximumf %add3A_376, %sub3A_408 : vector<17x256xf32>
      %mul3A_410 = arith.mulf %convert_element_type3A_404, %max3A_409 : vector<17x256xf32>
      %add3A_411 = arith.addf %while3A_326, %mul3A_410 : vector<17x256xf32>
      %mul3A_412 = arith.constant 0.0666666701 : f32
      %mul3A_413 = vector.broadcast %mul3A_412 : f32 to vector<17x256xf32>
      %mul3A_414 = arith.mulf %abs3A, %mul3A_413 : vector<17x256xf32>
      %sub3A_415 = arith.constant 1.000000e+00 : f32
      %sub3A_416 = vector.broadcast %sub3A_415 : f32 to vector<17x256xf32>
      %sub3A_417 = arith.subf %sub3A_416, %mul3A_414 : vector<17x256xf32>
      %mul3A_418 = arith.mulf %convert_element_type3A_404, %sub3A_417 : vector<17x256xf32>
      %add3A_419 = arith.addf %while3A_327, %mul3A_418 : vector<17x256xf32>
      scf.yield %add3A_405, %add3A_411, %add3A_419 : vector<17x256xf32>, vector<17x256xf32>, vector<17x256xf32>
    }
    %while3A_167 = arith.constant 1 : i32
    %while3A_168:3 = scf.for %while3A_324 = %while3A_164 to %while3A_160 step %while3A_167 iter_args(%while3A_325 = %while3A_166#0, %while3A_326 = %while3A_166#1, %while3A_327 = %while3A_166#2) -> (vector<17x256xf32>, vector<17x256xf32>, vector<17x256xf32>)  : i32 {
      %get3A_328 = arith.index_cast %arg0 : i32 to index
      %get3A_329 = arith.constant 2 : index
      %get3A_330 = arith.index_cast %while3A_324 : i32 to index
      %get3A_331 = memref.load %arg2[%get3A_328, %get3A_329, %get3A_330] : memref<16x4x32xi32, #tpu.memory_space<smem>>
      %get3A_332 = arith.constant 2 : index
      %get3A_333 = arith.index_cast %get3A_331 : i32 to index
      %get3A_334 = arith.constant 0 : index
      %get3A_335 = memref.load %arg1[%get3A_332, %get3A_333, %get3A_334] : memref<4x32x8xf32, #tpu.memory_space<smem>>
      %get3A_336 = arith.constant 2 : index
      %get3A_337 = arith.index_cast %get3A_331 : i32 to index
      %get3A_338 = arith.constant 1 : index
      %get3A_339 = memref.load %arg1[%get3A_336, %get3A_337, %get3A_338] : memref<4x32x8xf32, #tpu.memory_space<smem>>
      %get3A_340 = arith.constant 2 : index
      %get3A_341 = arith.index_cast %get3A_331 : i32 to index
      %get3A_342 = arith.constant 2 : index
      %get3A_343 = memref.load %arg1[%get3A_340, %get3A_341, %get3A_342] : memref<4x32x8xf32, #tpu.memory_space<smem>>
      %get3A_344 = arith.constant 2 : index
      %get3A_345 = arith.index_cast %get3A_331 : i32 to index
      %get3A_346 = arith.constant 3 : index
      %get3A_347 = memref.load %arg1[%get3A_344, %get3A_345, %get3A_346] : memref<4x32x8xf32, #tpu.memory_space<smem>>
      %get3A_348 = arith.constant 2 : index
      %get3A_349 = arith.index_cast %get3A_331 : i32 to index
      %get3A_350 = arith.constant 4 : index
      %get3A_351 = memref.load %arg1[%get3A_348, %get3A_349, %get3A_350] : memref<4x32x8xf32, #tpu.memory_space<smem>>
      %get3A_352 = arith.constant 2 : index
      %get3A_353 = arith.index_cast %get3A_331 : i32 to index
      %get3A_354 = arith.constant 5 : index
      %get3A_355 = memref.load %arg1[%get3A_352, %get3A_353, %get3A_354] : memref<4x32x8xf32, #tpu.memory_space<smem>>
      %get3A_356 = arith.constant 2 : index
      %get3A_357 = arith.index_cast %get3A_331 : i32 to index
      %get3A_358 = arith.constant 6 : index
      %get3A_359 = memref.load %arg1[%get3A_356, %get3A_357, %get3A_358] : memref<4x32x8xf32, #tpu.memory_space<smem>>
      %get3A_360 = arith.constant 2 : index
      %get3A_361 = arith.index_cast %get3A_331 : i32 to index
      %get3A_362 = arith.constant 7 : index
      %get3A_363 = memref.load %arg1[%get3A_360, %get3A_361, %get3A_362] : memref<4x32x8xf32, #tpu.memory_space<smem>>
      %sub3A = vector.broadcast %get3A_335 : f32 to vector<17x256xf32>
      %sub3A_364 = arith.subf %add3A_5, %sub3A : vector<17x256xf32>
      %sub3A_365 = vector.broadcast %get3A_339 : f32 to vector<17x256xf32>
      %sub3A_366 = arith.subf %convert_element_type3A_7, %sub3A_365 : vector<17x256xf32>
      %mul3A_367 = vector.broadcast %get3A_351 : f32 to vector<17x256xf32>
      %mul3A_368 = arith.mulf %sub3A_364, %mul3A_367 : vector<17x256xf32>
      %mul3A_369 = vector.broadcast %get3A_355 : f32 to vector<17x256xf32>
      %mul3A_370 = arith.mulf %sub3A_366, %mul3A_369 : vector<17x256xf32>
      %add3A_371 = arith.addf %mul3A_368, %mul3A_370 : vector<17x256xf32>
      %abs3A = math.absf %add3A_371 : vector<17x256xf32>
      %mul3A_372 = vector.broadcast %get3A_359 : f32 to vector<17x256xf32>
      %mul3A_373 = arith.mulf %sub3A_364, %mul3A_372 : vector<17x256xf32>
      %mul3A_374 = vector.broadcast %get3A_363 : f32 to vector<17x256xf32>
      %mul3A_375 = arith.mulf %sub3A_366, %mul3A_374 : vector<17x256xf32>
      %add3A_376 = arith.addf %mul3A_373, %mul3A_375 : vector<17x256xf32>
      %mul3A_377 = arith.mulf %sub3A_364, %sub3A_364 : vector<17x256xf32>
      %mul3A_378 = arith.mulf %sub3A_366, %sub3A_366 : vector<17x256xf32>
      %add3A_379 = arith.addf %mul3A_377, %mul3A_378 : vector<17x256xf32>
      %sub3A_380 = vector.broadcast %get3A_343 : f32 to vector<17x256xf32>
      %sub3A_381 = arith.subf %add3A_5, %sub3A_380 : vector<17x256xf32>
      %sub3A_382 = vector.broadcast %get3A_347 : f32 to vector<17x256xf32>
      %sub3A_383 = arith.subf %convert_element_type3A_7, %sub3A_382 : vector<17x256xf32>
      %mul3A_384 = arith.mulf %sub3A_381, %sub3A_381 : vector<17x256xf32>
      %mul3A_385 = arith.mulf %sub3A_383, %sub3A_383 : vector<17x256xf32>
      %add3A_386 = arith.addf %mul3A_384, %mul3A_385 : vector<17x256xf32>
      %le3A_387 = arith.constant 1.500000e+01 : f32
      %le3A_388 = vector.broadcast %le3A_387 : f32 to vector<17x256xf32>
      %le3A_389 = arith.cmpf ole, %abs3A, %le3A_388 : vector<17x256xf32>
      %ge3A = arith.constant 0.000000e+00 : f32
      %ge3A_390 = vector.broadcast %ge3A : f32 to vector<17x256xf32>
      %ge3A_391 = arith.cmpf oge, %add3A_376, %ge3A_390 : vector<17x256xf32>
      %and3A = arith.andi %le3A_389, %ge3A_391 : vector<17x256xi1>
      %le3A_392 = arith.constant 1.000000e+00 : f32
      %le3A_393 = vector.broadcast %le3A_392 : f32 to vector<17x256xf32>
      %le3A_394 = arith.cmpf ole, %add3A_376, %le3A_393 : vector<17x256xf32>
      %and3A_395 = arith.andi %and3A, %le3A_394 : vector<17x256xi1>
      %le3A_396 = arith.constant 2.250000e+02 : f32
      %le3A_397 = vector.broadcast %le3A_396 : f32 to vector<17x256xf32>
      %le3A_398 = arith.cmpf ole, %add3A_379, %le3A_397 : vector<17x256xf32>
      %or3A = arith.ori %and3A_395, %le3A_398 : vector<17x256xi1>
      %le3A_399 = arith.constant 2.250000e+02 : f32
      %le3A_400 = vector.broadcast %le3A_399 : f32 to vector<17x256xf32>
      %le3A_401 = arith.cmpf ole, %add3A_386, %le3A_400 : vector<17x256xf32>
      %or3A_402 = arith.ori %or3A, %le3A_401 : vector<17x256xi1>
      %convert_element_type3A_403 = arith.extui %or3A_402 : vector<17x256xi1> to vector<17x256xi32>
      %convert_element_type3A_404 = arith.sitofp %convert_element_type3A_403 : vector<17x256xi32> to vector<17x256xf32>
      %add3A_405 = arith.addf %while3A_325, %convert_element_type3A_404 : vector<17x256xf32>
      %sub3A_406 = arith.constant 1.000000e+00 : f32
      %sub3A_407 = vector.broadcast %sub3A_406 : f32 to vector<17x256xf32>
      %sub3A_408 = arith.subf %sub3A_407, %add3A_376 : vector<17x256xf32>
      %max3A_409 = arith.maximumf %add3A_376, %sub3A_408 : vector<17x256xf32>
      %mul3A_410 = arith.mulf %convert_element_type3A_404, %max3A_409 : vector<17x256xf32>
      %add3A_411 = arith.addf %while3A_326, %mul3A_410 : vector<17x256xf32>
      %mul3A_412 = arith.constant 0.0666666701 : f32
      %mul3A_413 = vector.broadcast %mul3A_412 : f32 to vector<17x256xf32>
      %mul3A_414 = arith.mulf %abs3A, %mul3A_413 : vector<17x256xf32>
      %sub3A_415 = arith.constant 1.000000e+00 : f32
      %sub3A_416 = vector.broadcast %sub3A_415 : f32 to vector<17x256xf32>
      %sub3A_417 = arith.subf %sub3A_416, %mul3A_414 : vector<17x256xf32>
      %mul3A_418 = arith.mulf %convert_element_type3A_404, %sub3A_417 : vector<17x256xf32>
      %add3A_419 = arith.addf %while3A_327, %mul3A_418 : vector<17x256xf32>
      scf.yield %add3A_405, %add3A_411, %add3A_419 : vector<17x256xf32>, vector<17x256xf32>, vector<17x256xf32>
    }
    %gt3A_169 = arith.constant 0.000000e+00 : f32
    %gt3A_170 = vector.broadcast %gt3A_169 : f32 to vector<17x256xf32>
    %gt3A_171 = arith.cmpf ogt, %while3A_168#0, %gt3A_170 : vector<17x256xf32>
    %convert_element_type3A_172 = arith.extui %gt3A_171 : vector<17x256xi1> to vector<17x256xi32>
    %convert_element_type3A_173 = arith.sitofp %convert_element_type3A_172 : vector<17x256xi32> to vector<17x256xf32>
    %mul3A_174 = arith.mulf %convert_element_type3A_173, %convert_element_type3A_11 : vector<17x256xf32>
    %slice3A_175 = vector.extract_strided_slice %while3A_168#0 {offsets = [0, 0], sizes = [16, 256], strides = [1, 1]} : vector<17x256xf32> to vector<16x256xf32>
    %max3A_176 = arith.constant 9.99999974E-5 : f32
    %max3A_177 = vector.broadcast %max3A_176 : f32 to vector<16x256xf32>
    %max3A_178 = arith.maximumf %slice3A_175, %max3A_177 : vector<16x256xf32>
    %get3A_179 = arith.constant 2 : index
    %get3A_180 = arith.constant 0 : index
    %get3A_181 = vector.load %arg10[%get3A_179, %get3A_180] : memref<16x256xf32, #tpu.memory_space<vmem>>, vector<1x256xf32>
    %slice3A_182 = vector.extract_strided_slice %mul3A_174 {offsets = [0, 0], sizes = [16, 256], strides = [1, 1]} : vector<17x256xf32> to vector<16x256xf32>
    %reduce_sum3A_183 = arith.constant dense<0.000000e+00> : vector<256xf32>
    %reduce_sum3A_184 = vector.multi_reduction <add>, %slice3A_182, %reduce_sum3A_183 [0] : vector<16x256xf32> to vector<256xf32>
    %broadcast_in_dim3A_185 = vector.shape_cast %reduce_sum3A_184 : vector<256xf32> to vector<1x256xf32>
    %add3A_186 = arith.addf %get3A_181, %broadcast_in_dim3A_185 : vector<1x256xf32>
    %swap3A_187 = arith.constant 2 : index
    %swap3A_188 = arith.constant 0 : index
    %swap3A_189 = vector.load %arg10[%swap3A_187, %swap3A_188] : memref<16x256xf32, #tpu.memory_space<vmem>>, vector<1x256xf32>
    tpu.vector_store %arg10[%swap3A_187, %swap3A_188], %add3A_186 {strides = array<i32>} : memref<16x256xf32, #tpu.memory_space<vmem>>, vector<1x256xf32>,
    %get3A_190 = arith.constant 6 : index
    %get3A_191 = arith.constant 0 : index
    %get3A_192 = vector.load %arg10[%get3A_190, %get3A_191] : memref<16x256xf32, #tpu.memory_space<vmem>>, vector<1x256xf32>
    %slice3A_193 = vector.extract_strided_slice %while3A_168#1 {offsets = [0, 0], sizes = [16, 256], strides = [1, 1]} : vector<17x256xf32> to vector<16x256xf32>
    %div3A_194 = arith.divf %slice3A_193, %max3A_178 : vector<16x256xf32>
    %reduce_sum3A_195 = arith.constant dense<0.000000e+00> : vector<256xf32>
    %reduce_sum3A_196 = vector.multi_reduction <add>, %div3A_194, %reduce_sum3A_195 [0] : vector<16x256xf32> to vector<256xf32>
    %broadcast_in_dim3A_197 = vector.shape_cast %reduce_sum3A_196 : vector<256xf32> to vector<1x256xf32>
    %add3A_198 = arith.addf %get3A_192, %broadcast_in_dim3A_197 : vector<1x256xf32>
    %swap3A_199 = arith.constant 6 : index
    %swap3A_200 = arith.constant 0 : index
    %swap3A_201 = vector.load %arg10[%swap3A_199, %swap3A_200] : memref<16x256xf32, #tpu.memory_space<vmem>>, vector<1x256xf32>
    tpu.vector_store %arg10[%swap3A_199, %swap3A_200], %add3A_198 {strides = array<i32>} : memref<16x256xf32, #tpu.memory_space<vmem>>, vector<1x256xf32>,
    %get3A_202 = arith.constant 10 : index
    %get3A_203 = arith.constant 0 : index
    %get3A_204 = vector.load %arg10[%get3A_202, %get3A_203] : memref<16x256xf32, #tpu.memory_space<vmem>>, vector<1x256xf32>
    %slice3A_205 = vector.extract_strided_slice %while3A_168#2 {offsets = [0, 0], sizes = [16, 256], strides = [1, 1]} : vector<17x256xf32> to vector<16x256xf32>
    %div3A_206 = arith.divf %slice3A_205, %max3A_178 : vector<16x256xf32>
    %reduce_sum3A_207 = arith.constant dense<0.000000e+00> : vector<256xf32>
    %reduce_sum3A_208 = vector.multi_reduction <add>, %div3A_206, %reduce_sum3A_207 [0] : vector<16x256xf32> to vector<256xf32>
    %broadcast_in_dim3A_209 = vector.shape_cast %reduce_sum3A_208 : vector<256xf32> to vector<1x256xf32>
    %add3A_210 = arith.addf %get3A_204, %broadcast_in_dim3A_209 : vector<1x256xf32>
    %swap3A_211 = arith.constant 10 : index
    %swap3A_212 = arith.constant 0 : index
    %swap3A_213 = vector.load %arg10[%swap3A_211, %swap3A_212] : memref<16x256xf32, #tpu.memory_space<vmem>>, vector<1x256xf32>
    tpu.vector_store %arg10[%swap3A_211, %swap3A_212], %add3A_210 {strides = array<i32>} : memref<16x256xf32, #tpu.memory_space<vmem>>, vector<1x256xf32>,
    %slice3A_214 = vector.extract_strided_slice %mul3A_174 {offsets = [0, 0], sizes = [16, 256], strides = [1, 1]} : vector<17x256xf32> to vector<16x256xf32>
    %slice3A_215 = vector.extract_strided_slice %mul3A_174 {offsets = [1, 0], sizes = [16, 256], strides = [1, 1]} : vector<17x256xf32> to vector<16x256xf32>
    %add3A_216 = arith.addf %slice3A_214, %slice3A_215 : vector<16x256xf32>
    %slice3A_217 = vector.extract_strided_slice %add3A_216 {offsets = [0, 1], sizes = [16, 255], strides = [1, 1]} : vector<16x256xf32> to vector<16x255xf32>
    %broadcast_in_dim3A_218 = arith.constant 0.000000e+00 : f32
    %broadcast_in_dim3A_219 = vector.broadcast %broadcast_in_dim3A_218 : f32 to vector<16x1xf32>
    %concatenate3A_220 = tpu.concatenate %slice3A_217, %broadcast_in_dim3A_219 in 1 : vector<16x255xf32>, vector<16x1xf32> -> vector<16x256xf32>
    %add3A_221 = arith.addf %add3A_216, %concatenate3A_220 : vector<16x256xf32>
    %mul3A_222 = arith.constant 2.500000e-01 : f32
    %mul3A_223 = vector.broadcast %mul3A_222 : f32 to vector<16x256xf32>
    %mul3A_224 = arith.mulf %add3A_221, %mul3A_223 : vector<16x256xf32>
    %reshape3A_225 = vector.shape_cast %mul3A_224 : vector<16x256xf32> to vector<1x4096xf32>
    %swap3A_226 = arith.constant 2 : index
    %swap3A_227 = arith.constant 0 : index
    %swap3A_228 = vector.load %arg11[%swap3A_226, %swap3A_227] : memref<8x4096xf32, #tpu.memory_space<vmem>>, vector<1x4096xf32>
    tpu.vector_store %arg11[%swap3A_226, %swap3A_227], %reshape3A_225 {strides = array<i32>} : memref<8x4096xf32, #tpu.memory_space<vmem>>, vector<1x4096xf32>,
    %broadcast_in_dim3A_229 = arith.constant 0.000000e+00 : f32
    %broadcast_in_dim3A_230 = vector.broadcast %broadcast_in_dim3A_229 : f32 to vector<17x256xf32>
    %get3A_231 = arith.index_cast %arg0 : i32 to index
    %get3A_232 = arith.constant 3 : index
    %get3A_233 = memref.load %arg3[%get3A_231, %get3A_232] : memref<16x4xi32, #tpu.memory_space<smem>>
    %while3A_234 = arith.constant 0 : i32
    %while3A_235 = arith.subi %get3A_233, %while3A_234 : i32
    %while3A_236 = arith.addi %while3A_234, %while3A_235 : i32
    %while3A_237 = arith.constant 1 : i32
    %while3A_238 = arith.divsi %while3A_235, %while3A_237 : i32
    %while3A_239 = arith.muli %while3A_238, %while3A_237 : i32
    %while3A_240 = arith.addi %while3A_234, %while3A_239 : i32
    %while3A_241 = arith.constant 1 : i32
    %while3A_242:3 = scf.for %while3A_324 = %while3A_234 to %while3A_240 step %while3A_241 iter_args(%while3A_325 = %broadcast_in_dim3A_230, %while3A_326 = %broadcast_in_dim3A_230, %while3A_327 = %broadcast_in_dim3A_230) -> (vector<17x256xf32>, vector<17x256xf32>, vector<17x256xf32>)  : i32 {
      %get3A_328 = arith.index_cast %arg0 : i32 to index
      %get3A_329 = arith.constant 3 : index
      %get3A_330 = arith.index_cast %while3A_324 : i32 to index
      %get3A_331 = memref.load %arg2[%get3A_328, %get3A_329, %get3A_330] : memref<16x4x32xi32, #tpu.memory_space<smem>>
      %get3A_332 = arith.constant 3 : index
      %get3A_333 = arith.index_cast %get3A_331 : i32 to index
      %get3A_334 = arith.constant 0 : index
      %get3A_335 = memref.load %arg1[%get3A_332, %get3A_333, %get3A_334] : memref<4x32x8xf32, #tpu.memory_space<smem>>
      %get3A_336 = arith.constant 3 : index
      %get3A_337 = arith.index_cast %get3A_331 : i32 to index
      %get3A_338 = arith.constant 1 : index
      %get3A_339 = memref.load %arg1[%get3A_336, %get3A_337, %get3A_338] : memref<4x32x8xf32, #tpu.memory_space<smem>>
      %get3A_340 = arith.constant 3 : index
      %get3A_341 = arith.index_cast %get3A_331 : i32 to index
      %get3A_342 = arith.constant 2 : index
      %get3A_343 = memref.load %arg1[%get3A_340, %get3A_341, %get3A_342] : memref<4x32x8xf32, #tpu.memory_space<smem>>
      %get3A_344 = arith.constant 3 : index
      %get3A_345 = arith.index_cast %get3A_331 : i32 to index
      %get3A_346 = arith.constant 3 : index
      %get3A_347 = memref.load %arg1[%get3A_344, %get3A_345, %get3A_346] : memref<4x32x8xf32, #tpu.memory_space<smem>>
      %get3A_348 = arith.constant 3 : index
      %get3A_349 = arith.index_cast %get3A_331 : i32 to index
      %get3A_350 = arith.constant 4 : index
      %get3A_351 = memref.load %arg1[%get3A_348, %get3A_349, %get3A_350] : memref<4x32x8xf32, #tpu.memory_space<smem>>
      %get3A_352 = arith.constant 3 : index
      %get3A_353 = arith.index_cast %get3A_331 : i32 to index
      %get3A_354 = arith.constant 5 : index
      %get3A_355 = memref.load %arg1[%get3A_352, %get3A_353, %get3A_354] : memref<4x32x8xf32, #tpu.memory_space<smem>>
      %get3A_356 = arith.constant 3 : index
      %get3A_357 = arith.index_cast %get3A_331 : i32 to index
      %get3A_358 = arith.constant 6 : index
      %get3A_359 = memref.load %arg1[%get3A_356, %get3A_357, %get3A_358] : memref<4x32x8xf32, #tpu.memory_space<smem>>
      %get3A_360 = arith.constant 3 : index
      %get3A_361 = arith.index_cast %get3A_331 : i32 to index
      %get3A_362 = arith.constant 7 : index
      %get3A_363 = memref.load %arg1[%get3A_360, %get3A_361, %get3A_362] : memref<4x32x8xf32, #tpu.memory_space<smem>>
      %sub3A = vector.broadcast %get3A_335 : f32 to vector<17x256xf32>
      %sub3A_364 = arith.subf %add3A_5, %sub3A : vector<17x256xf32>
      %sub3A_365 = vector.broadcast %get3A_339 : f32 to vector<17x256xf32>
      %sub3A_366 = arith.subf %convert_element_type3A_7, %sub3A_365 : vector<17x256xf32>
      %mul3A_367 = vector.broadcast %get3A_351 : f32 to vector<17x256xf32>
      %mul3A_368 = arith.mulf %sub3A_364, %mul3A_367 : vector<17x256xf32>
      %mul3A_369 = vector.broadcast %get3A_355 : f32 to vector<17x256xf32>
      %mul3A_370 = arith.mulf %sub3A_366, %mul3A_369 : vector<17x256xf32>
      %add3A_371 = arith.addf %mul3A_368, %mul3A_370 : vector<17x256xf32>
      %abs3A = math.absf %add3A_371 : vector<17x256xf32>
      %mul3A_372 = vector.broadcast %get3A_359 : f32 to vector<17x256xf32>
      %mul3A_373 = arith.mulf %sub3A_364, %mul3A_372 : vector<17x256xf32>
      %mul3A_374 = vector.broadcast %get3A_363 : f32 to vector<17x256xf32>
      %mul3A_375 = arith.mulf %sub3A_366, %mul3A_374 : vector<17x256xf32>
      %add3A_376 = arith.addf %mul3A_373, %mul3A_375 : vector<17x256xf32>
      %mul3A_377 = arith.mulf %sub3A_364, %sub3A_364 : vector<17x256xf32>
      %mul3A_378 = arith.mulf %sub3A_366, %sub3A_366 : vector<17x256xf32>
      %add3A_379 = arith.addf %mul3A_377, %mul3A_378 : vector<17x256xf32>
      %sub3A_380 = vector.broadcast %get3A_343 : f32 to vector<17x256xf32>
      %sub3A_381 = arith.subf %add3A_5, %sub3A_380 : vector<17x256xf32>
      %sub3A_382 = vector.broadcast %get3A_347 : f32 to vector<17x256xf32>
      %sub3A_383 = arith.subf %convert_element_type3A_7, %sub3A_382 : vector<17x256xf32>
      %mul3A_384 = arith.mulf %sub3A_381, %sub3A_381 : vector<17x256xf32>
      %mul3A_385 = arith.mulf %sub3A_383, %sub3A_383 : vector<17x256xf32>
      %add3A_386 = arith.addf %mul3A_384, %mul3A_385 : vector<17x256xf32>
      %le3A_387 = arith.constant 1.500000e+01 : f32
      %le3A_388 = vector.broadcast %le3A_387 : f32 to vector<17x256xf32>
      %le3A_389 = arith.cmpf ole, %abs3A, %le3A_388 : vector<17x256xf32>
      %ge3A = arith.constant 0.000000e+00 : f32
      %ge3A_390 = vector.broadcast %ge3A : f32 to vector<17x256xf32>
      %ge3A_391 = arith.cmpf oge, %add3A_376, %ge3A_390 : vector<17x256xf32>
      %and3A = arith.andi %le3A_389, %ge3A_391 : vector<17x256xi1>
      %le3A_392 = arith.constant 1.000000e+00 : f32
      %le3A_393 = vector.broadcast %le3A_392 : f32 to vector<17x256xf32>
      %le3A_394 = arith.cmpf ole, %add3A_376, %le3A_393 : vector<17x256xf32>
      %and3A_395 = arith.andi %and3A, %le3A_394 : vector<17x256xi1>
      %le3A_396 = arith.constant 2.250000e+02 : f32
      %le3A_397 = vector.broadcast %le3A_396 : f32 to vector<17x256xf32>
      %le3A_398 = arith.cmpf ole, %add3A_379, %le3A_397 : vector<17x256xf32>
      %or3A = arith.ori %and3A_395, %le3A_398 : vector<17x256xi1>
      %le3A_399 = arith.constant 2.250000e+02 : f32
      %le3A_400 = vector.broadcast %le3A_399 : f32 to vector<17x256xf32>
      %le3A_401 = arith.cmpf ole, %add3A_386, %le3A_400 : vector<17x256xf32>
      %or3A_402 = arith.ori %or3A, %le3A_401 : vector<17x256xi1>
      %convert_element_type3A_403 = arith.extui %or3A_402 : vector<17x256xi1> to vector<17x256xi32>
      %convert_element_type3A_404 = arith.sitofp %convert_element_type3A_403 : vector<17x256xi32> to vector<17x256xf32>
      %add3A_405 = arith.addf %while3A_325, %convert_element_type3A_404 : vector<17x256xf32>
      %sub3A_406 = arith.constant 1.000000e+00 : f32
      %sub3A_407 = vector.broadcast %sub3A_406 : f32 to vector<17x256xf32>
      %sub3A_408 = arith.subf %sub3A_407, %add3A_376 : vector<17x256xf32>
      %max3A_409 = arith.maximumf %add3A_376, %sub3A_408 : vector<17x256xf32>
      %mul3A_410 = arith.mulf %convert_element_type3A_404, %max3A_409 : vector<17x256xf32>
      %add3A_411 = arith.addf %while3A_326, %mul3A_410 : vector<17x256xf32>
      %mul3A_412 = arith.constant 0.0666666701 : f32
      %mul3A_413 = vector.broadcast %mul3A_412 : f32 to vector<17x256xf32>
      %mul3A_414 = arith.mulf %abs3A, %mul3A_413 : vector<17x256xf32>
      %sub3A_415 = arith.constant 1.000000e+00 : f32
      %sub3A_416 = vector.broadcast %sub3A_415 : f32 to vector<17x256xf32>
      %sub3A_417 = arith.subf %sub3A_416, %mul3A_414 : vector<17x256xf32>
      %mul3A_418 = arith.mulf %convert_element_type3A_404, %sub3A_417 : vector<17x256xf32>
      %add3A_419 = arith.addf %while3A_327, %mul3A_418 : vector<17x256xf32>
      scf.yield %add3A_405, %add3A_411, %add3A_419 : vector<17x256xf32>, vector<17x256xf32>, vector<17x256xf32>
    }
    %while3A_243 = arith.constant 1 : i32
    %while3A_244:3 = scf.for %while3A_324 = %while3A_240 to %while3A_236 step %while3A_243 iter_args(%while3A_325 = %while3A_242#0, %while3A_326 = %while3A_242#1, %while3A_327 = %while3A_242#2) -> (vector<17x256xf32>, vector<17x256xf32>, vector<17x256xf32>)  : i32 {
      %get3A_328 = arith.index_cast %arg0 : i32 to index
      %get3A_329 = arith.constant 3 : index
      %get3A_330 = arith.index_cast %while3A_324 : i32 to index
      %get3A_331 = memref.load %arg2[%get3A_328, %get3A_329, %get3A_330] : memref<16x4x32xi32, #tpu.memory_space<smem>>
      %get3A_332 = arith.constant 3 : index
      %get3A_333 = arith.index_cast %get3A_331 : i32 to index
      %get3A_334 = arith.constant 0 : index
      %get3A_335 = memref.load %arg1[%get3A_332, %get3A_333, %get3A_334] : memref<4x32x8xf32, #tpu.memory_space<smem>>
      %get3A_336 = arith.constant 3 : index
      %get3A_337 = arith.index_cast %get3A_331 : i32 to index
      %get3A_338 = arith.constant 1 : index
      %get3A_339 = memref.load %arg1[%get3A_336, %get3A_337, %get3A_338] : memref<4x32x8xf32, #tpu.memory_space<smem>>
      %get3A_340 = arith.constant 3 : index
      %get3A_341 = arith.index_cast %get3A_331 : i32 to index
      %get3A_342 = arith.constant 2 : index
      %get3A_343 = memref.load %arg1[%get3A_340, %get3A_341, %get3A_342] : memref<4x32x8xf32, #tpu.memory_space<smem>>
      %get3A_344 = arith.constant 3 : index
      %get3A_345 = arith.index_cast %get3A_331 : i32 to index
      %get3A_346 = arith.constant 3 : index
      %get3A_347 = memref.load %arg1[%get3A_344, %get3A_345, %get3A_346] : memref<4x32x8xf32, #tpu.memory_space<smem>>
      %get3A_348 = arith.constant 3 : index
      %get3A_349 = arith.index_cast %get3A_331 : i32 to index
      %get3A_350 = arith.constant 4 : index
      %get3A_351 = memref.load %arg1[%get3A_348, %get3A_349, %get3A_350] : memref<4x32x8xf32, #tpu.memory_space<smem>>
      %get3A_352 = arith.constant 3 : index
      %get3A_353 = arith.index_cast %get3A_331 : i32 to index
      %get3A_354 = arith.constant 5 : index
      %get3A_355 = memref.load %arg1[%get3A_352, %get3A_353, %get3A_354] : memref<4x32x8xf32, #tpu.memory_space<smem>>
      %get3A_356 = arith.constant 3 : index
      %get3A_357 = arith.index_cast %get3A_331 : i32 to index
      %get3A_358 = arith.constant 6 : index
      %get3A_359 = memref.load %arg1[%get3A_356, %get3A_357, %get3A_358] : memref<4x32x8xf32, #tpu.memory_space<smem>>
      %get3A_360 = arith.constant 3 : index
      %get3A_361 = arith.index_cast %get3A_331 : i32 to index
      %get3A_362 = arith.constant 7 : index
      %get3A_363 = memref.load %arg1[%get3A_360, %get3A_361, %get3A_362] : memref<4x32x8xf32, #tpu.memory_space<smem>>
      %sub3A = vector.broadcast %get3A_335 : f32 to vector<17x256xf32>
      %sub3A_364 = arith.subf %add3A_5, %sub3A : vector<17x256xf32>
      %sub3A_365 = vector.broadcast %get3A_339 : f32 to vector<17x256xf32>
      %sub3A_366 = arith.subf %convert_element_type3A_7, %sub3A_365 : vector<17x256xf32>
      %mul3A_367 = vector.broadcast %get3A_351 : f32 to vector<17x256xf32>
      %mul3A_368 = arith.mulf %sub3A_364, %mul3A_367 : vector<17x256xf32>
      %mul3A_369 = vector.broadcast %get3A_355 : f32 to vector<17x256xf32>
      %mul3A_370 = arith.mulf %sub3A_366, %mul3A_369 : vector<17x256xf32>
      %add3A_371 = arith.addf %mul3A_368, %mul3A_370 : vector<17x256xf32>
      %abs3A = math.absf %add3A_371 : vector<17x256xf32>
      %mul3A_372 = vector.broadcast %get3A_359 : f32 to vector<17x256xf32>
      %mul3A_373 = arith.mulf %sub3A_364, %mul3A_372 : vector<17x256xf32>
      %mul3A_374 = vector.broadcast %get3A_363 : f32 to vector<17x256xf32>
      %mul3A_375 = arith.mulf %sub3A_366, %mul3A_374 : vector<17x256xf32>
      %add3A_376 = arith.addf %mul3A_373, %mul3A_375 : vector<17x256xf32>
      %mul3A_377 = arith.mulf %sub3A_364, %sub3A_364 : vector<17x256xf32>
      %mul3A_378 = arith.mulf %sub3A_366, %sub3A_366 : vector<17x256xf32>
      %add3A_379 = arith.addf %mul3A_377, %mul3A_378 : vector<17x256xf32>
      %sub3A_380 = vector.broadcast %get3A_343 : f32 to vector<17x256xf32>
      %sub3A_381 = arith.subf %add3A_5, %sub3A_380 : vector<17x256xf32>
      %sub3A_382 = vector.broadcast %get3A_347 : f32 to vector<17x256xf32>
      %sub3A_383 = arith.subf %convert_element_type3A_7, %sub3A_382 : vector<17x256xf32>
      %mul3A_384 = arith.mulf %sub3A_381, %sub3A_381 : vector<17x256xf32>
      %mul3A_385 = arith.mulf %sub3A_383, %sub3A_383 : vector<17x256xf32>
      %add3A_386 = arith.addf %mul3A_384, %mul3A_385 : vector<17x256xf32>
      %le3A_387 = arith.constant 1.500000e+01 : f32
      %le3A_388 = vector.broadcast %le3A_387 : f32 to vector<17x256xf32>
      %le3A_389 = arith.cmpf ole, %abs3A, %le3A_388 : vector<17x256xf32>
      %ge3A = arith.constant 0.000000e+00 : f32
      %ge3A_390 = vector.broadcast %ge3A : f32 to vector<17x256xf32>
      %ge3A_391 = arith.cmpf oge, %add3A_376, %ge3A_390 : vector<17x256xf32>
      %and3A = arith.andi %le3A_389, %ge3A_391 : vector<17x256xi1>
      %le3A_392 = arith.constant 1.000000e+00 : f32
      %le3A_393 = vector.broadcast %le3A_392 : f32 to vector<17x256xf32>
      %le3A_394 = arith.cmpf ole, %add3A_376, %le3A_393 : vector<17x256xf32>
      %and3A_395 = arith.andi %and3A, %le3A_394 : vector<17x256xi1>
      %le3A_396 = arith.constant 2.250000e+02 : f32
      %le3A_397 = vector.broadcast %le3A_396 : f32 to vector<17x256xf32>
      %le3A_398 = arith.cmpf ole, %add3A_379, %le3A_397 : vector<17x256xf32>
      %or3A = arith.ori %and3A_395, %le3A_398 : vector<17x256xi1>
      %le3A_399 = arith.constant 2.250000e+02 : f32
      %le3A_400 = vector.broadcast %le3A_399 : f32 to vector<17x256xf32>
      %le3A_401 = arith.cmpf ole, %add3A_386, %le3A_400 : vector<17x256xf32>
      %or3A_402 = arith.ori %or3A, %le3A_401 : vector<17x256xi1>
      %convert_element_type3A_403 = arith.extui %or3A_402 : vector<17x256xi1> to vector<17x256xi32>
      %convert_element_type3A_404 = arith.sitofp %convert_element_type3A_403 : vector<17x256xi32> to vector<17x256xf32>
      %add3A_405 = arith.addf %while3A_325, %convert_element_type3A_404 : vector<17x256xf32>
      %sub3A_406 = arith.constant 1.000000e+00 : f32
      %sub3A_407 = vector.broadcast %sub3A_406 : f32 to vector<17x256xf32>
      %sub3A_408 = arith.subf %sub3A_407, %add3A_376 : vector<17x256xf32>
      %max3A_409 = arith.maximumf %add3A_376, %sub3A_408 : vector<17x256xf32>
      %mul3A_410 = arith.mulf %convert_element_type3A_404, %max3A_409 : vector<17x256xf32>
      %add3A_411 = arith.addf %while3A_326, %mul3A_410 : vector<17x256xf32>
      %mul3A_412 = arith.constant 0.0666666701 : f32
      %mul3A_413 = vector.broadcast %mul3A_412 : f32 to vector<17x256xf32>
      %mul3A_414 = arith.mulf %abs3A, %mul3A_413 : vector<17x256xf32>
      %sub3A_415 = arith.constant 1.000000e+00 : f32
      %sub3A_416 = vector.broadcast %sub3A_415 : f32 to vector<17x256xf32>
      %sub3A_417 = arith.subf %sub3A_416, %mul3A_414 : vector<17x256xf32>
      %mul3A_418 = arith.mulf %convert_element_type3A_404, %sub3A_417 : vector<17x256xf32>
      %add3A_419 = arith.addf %while3A_327, %mul3A_418 : vector<17x256xf32>
      scf.yield %add3A_405, %add3A_411, %add3A_419 : vector<17x256xf32>, vector<17x256xf32>, vector<17x256xf32>
    }
    %gt3A_245 = arith.constant 0.000000e+00 : f32
    %gt3A_246 = vector.broadcast %gt3A_245 : f32 to vector<17x256xf32>
    %gt3A_247 = arith.cmpf ogt, %while3A_244#0, %gt3A_246 : vector<17x256xf32>
    %convert_element_type3A_248 = arith.extui %gt3A_247 : vector<17x256xi1> to vector<17x256xi32>
    %convert_element_type3A_249 = arith.sitofp %convert_element_type3A_248 : vector<17x256xi32> to vector<17x256xf32>
    %mul3A_250 = arith.mulf %convert_element_type3A_249, %convert_element_type3A_11 : vector<17x256xf32>
    %slice3A_251 = vector.extract_strided_slice %while3A_244#0 {offsets = [0, 0], sizes = [16, 256], strides = [1, 1]} : vector<17x256xf32> to vector<16x256xf32>
    %max3A_252 = arith.constant 9.99999974E-5 : f32
    %max3A_253 = vector.broadcast %max3A_252 : f32 to vector<16x256xf32>
    %max3A_254 = arith.maximumf %slice3A_251, %max3A_253 : vector<16x256xf32>
    %get3A_255 = arith.constant 3 : index
    %get3A_256 = arith.constant 0 : index
    %get3A_257 = vector.load %arg10[%get3A_255, %get3A_256] : memref<16x256xf32, #tpu.memory_space<vmem>>, vector<1x256xf32>
    %slice3A_258 = vector.extract_strided_slice %mul3A_250 {offsets = [0, 0], sizes = [16, 256], strides = [1, 1]} : vector<17x256xf32> to vector<16x256xf32>
    %reduce_sum3A_259 = arith.constant dense<0.000000e+00> : vector<256xf32>
    %reduce_sum3A_260 = vector.multi_reduction <add>, %slice3A_258, %reduce_sum3A_259 [0] : vector<16x256xf32> to vector<256xf32>
    %broadcast_in_dim3A_261 = vector.shape_cast %reduce_sum3A_260 : vector<256xf32> to vector<1x256xf32>
    %add3A_262 = arith.addf %get3A_257, %broadcast_in_dim3A_261 : vector<1x256xf32>
    %swap3A_263 = arith.constant 3 : index
    %swap3A_264 = arith.constant 0 : index
    %swap3A_265 = vector.load %arg10[%swap3A_263, %swap3A_264] : memref<16x256xf32, #tpu.memory_space<vmem>>, vector<1x256xf32>
    tpu.vector_store %arg10[%swap3A_263, %swap3A_264], %add3A_262 {strides = array<i32>} : memref<16x256xf32, #tpu.memory_space<vmem>>, vector<1x256xf32>,
    %get3A_266 = arith.constant 7 : index
    %get3A_267 = arith.constant 0 : index
    %get3A_268 = vector.load %arg10[%get3A_266, %get3A_267] : memref<16x256xf32, #tpu.memory_space<vmem>>, vector<1x256xf32>
    %slice3A_269 = vector.extract_strided_slice %while3A_244#1 {offsets = [0, 0], sizes = [16, 256], strides = [1, 1]} : vector<17x256xf32> to vector<16x256xf32>
    %div3A_270 = arith.divf %slice3A_269, %max3A_254 : vector<16x256xf32>
    %reduce_sum3A_271 = arith.constant dense<0.000000e+00> : vector<256xf32>
    %reduce_sum3A_272 = vector.multi_reduction <add>, %div3A_270, %reduce_sum3A_271 [0] : vector<16x256xf32> to vector<256xf32>
    %broadcast_in_dim3A_273 = vector.shape_cast %reduce_sum3A_272 : vector<256xf32> to vector<1x256xf32>
    %add3A_274 = arith.addf %get3A_268, %broadcast_in_dim3A_273 : vector<1x256xf32>
    %swap3A_275 = arith.constant 7 : index
    %swap3A_276 = arith.constant 0 : index
    %swap3A_277 = vector.load %arg10[%swap3A_275, %swap3A_276] : memref<16x256xf32, #tpu.memory_space<vmem>>, vector<1x256xf32>
    tpu.vector_store %arg10[%swap3A_275, %swap3A_276], %add3A_274 {strides = array<i32>} : memref<16x256xf32, #tpu.memory_space<vmem>>, vector<1x256xf32>,
    %get3A_278 = arith.constant 11 : index
    %get3A_279 = arith.constant 0 : index
    %get3A_280 = vector.load %arg10[%get3A_278, %get3A_279] : memref<16x256xf32, #tpu.memory_space<vmem>>, vector<1x256xf32>
    %slice3A_281 = vector.extract_strided_slice %while3A_244#2 {offsets = [0, 0], sizes = [16, 256], strides = [1, 1]} : vector<17x256xf32> to vector<16x256xf32>
    %div3A_282 = arith.divf %slice3A_281, %max3A_254 : vector<16x256xf32>
    %reduce_sum3A_283 = arith.constant dense<0.000000e+00> : vector<256xf32>
    %reduce_sum3A_284 = vector.multi_reduction <add>, %div3A_282, %reduce_sum3A_283 [0] : vector<16x256xf32> to vector<256xf32>
    %broadcast_in_dim3A_285 = vector.shape_cast %reduce_sum3A_284 : vector<256xf32> to vector<1x256xf32>
    %add3A_286 = arith.addf %get3A_280, %broadcast_in_dim3A_285 : vector<1x256xf32>
    %swap3A_287 = arith.constant 11 : index
    %swap3A_288 = arith.constant 0 : index
    %swap3A_289 = vector.load %arg10[%swap3A_287, %swap3A_288] : memref<16x256xf32, #tpu.memory_space<vmem>>, vector<1x256xf32>
    tpu.vector_store %arg10[%swap3A_287, %swap3A_288], %add3A_286 {strides = array<i32>} : memref<16x256xf32, #tpu.memory_space<vmem>>, vector<1x256xf32>,
    %slice3A_290 = vector.extract_strided_slice %mul3A_250 {offsets = [0, 0], sizes = [16, 256], strides = [1, 1]} : vector<17x256xf32> to vector<16x256xf32>
    %slice3A_291 = vector.extract_strided_slice %mul3A_250 {offsets = [1, 0], sizes = [16, 256], strides = [1, 1]} : vector<17x256xf32> to vector<16x256xf32>
    %add3A_292 = arith.addf %slice3A_290, %slice3A_291 : vector<16x256xf32>
    %slice3A_293 = vector.extract_strided_slice %add3A_292 {offsets = [0, 1], sizes = [16, 255], strides = [1, 1]} : vector<16x256xf32> to vector<16x255xf32>
    %broadcast_in_dim3A_294 = arith.constant 0.000000e+00 : f32
    %broadcast_in_dim3A_295 = vector.broadcast %broadcast_in_dim3A_294 : f32 to vector<16x1xf32>
    %concatenate3A_296 = tpu.concatenate %slice3A_293, %broadcast_in_dim3A_295 in 1 : vector<16x255xf32>, vector<16x1xf32> -> vector<16x256xf32>
    %add3A_297 = arith.addf %add3A_292, %concatenate3A_296 : vector<16x256xf32>
    %mul3A_298 = arith.constant 2.500000e-01 : f32
    %mul3A_299 = vector.broadcast %mul3A_298 : f32 to vector<16x256xf32>
    %mul3A_300 = arith.mulf %add3A_297, %mul3A_299 : vector<16x256xf32>
    %reshape3A_301 = vector.shape_cast %mul3A_300 : vector<16x256xf32> to vector<1x4096xf32>
    %swap3A_302 = arith.constant 3 : index
    %swap3A_303 = arith.constant 0 : index
    %swap3A_304 = vector.load %arg11[%swap3A_302, %swap3A_303] : memref<8x4096xf32, #tpu.memory_space<vmem>>, vector<1x4096xf32>
    tpu.vector_store %arg11[%swap3A_302, %swap3A_303], %reshape3A_301 {strides = array<i32>} : memref<8x4096xf32, #tpu.memory_space<vmem>>, vector<1x4096xf32>,
    %get3A_305 = arith.constant 0 : index
    %get3A_306 = arith.constant 0 : index
    %get3A_307 = vector.load %arg9[%get3A_305, %get3A_306] : memref<8x128xf32, #tpu.memory_space<vmem>>, vector<8x128xf32>
    %get3A_308 = arith.constant 0 : index
    %get3A_309 = arith.constant 0 : index
    %get3A_310 = vector.load %arg11[%get3A_308, %get3A_309] : memref<8x4096xf32, #tpu.memory_space<vmem>>, vector<8x4096xf32>
    %get3A_311 = arith.constant 0 : index
    %get3A_312 = arith.constant 0 : index
    %get3A_313 = vector.load %arg4[%get3A_311, %get3A_312] : memref<128x4096xf32, #tpu.memory_space<vmem>>, vector<128x4096xf32>
    %dot_general3A = arith.constant dense<0.000000e+00> : vector<8x128xf32>
    %dot_general3A_314 = tpu.matmul %get3A_310, %get3A_313, %dot_general3A {dimension_numbers = #tpu.dot_dimension_numbers<[1], [1], [0], [0], [0, 0, 1, 0], [], []>, transpose_lhs_hint = false} : vector<8x4096xf32>, vector<128x4096xf32>, vector<8x128xf32> -> vector<8x128xf32>
    %add3A_315 = arith.addf %get3A_307, %dot_general3A_314 : vector<8x128xf32>
    %swap3A_316 = arith.constant 0 : index
    %swap3A_317 = arith.constant 0 : index
    %swap3A_318 = vector.load %arg9[%swap3A_316, %swap3A_317] : memref<8x128xf32, #tpu.memory_space<vmem>>, vector<8x128xf32>
    tpu.vector_store %arg9[%swap3A_316, %swap3A_317], %add3A_315 {strides = array<i32>} : memref<8x128xf32, #tpu.memory_space<vmem>>, vector<8x128xf32>,
    %eq3A_319 = arith.constant 15 : i32
    %eq3A_320 = arith.cmpi eq, %arg0, %eq3A_319 : i32
    %convert_element_type3A_321 = arith.extui %eq3A_320 : i1 to i32
    %cond3A_322 = arith.constant 0 : i32
    %cond3A_323 = arith.cmpi ne, %convert_element_type3A_321, %cond3A_322 : i32
    scf.if %cond3A_323 {
      %get3A_324 = arith.constant 0 : index
      %get3A_325 = arith.constant 0 : index
      %get3A_326 = vector.load %arg10[%get3A_324, %get3A_325] : memref<16x256xf32, #tpu.memory_space<vmem>>, vector<4x256xf32>
      %reduce_sum3A_327 = arith.constant dense<0.000000e+00> : vector<4xf32>
      %reduce_sum3A_328 = vector.multi_reduction <add>, %get3A_326, %reduce_sum3A_327 [1] : vector<4x256xf32> to vector<4xf32>
      %broadcast_in_dim3A_329 = vector.shape_cast %reduce_sum3A_328 : vector<4xf32> to vector<4x1xf32>
      %get3A_330 = arith.constant 4 : index
      %get3A_331 = arith.constant 0 : index
      %get3A_332 = vector.load %arg10[%get3A_330, %get3A_331] : memref<16x256xf32, #tpu.memory_space<vmem>>, vector<4x256xf32>
      %reduce_sum3A_333 = arith.constant dense<0.000000e+00> : vector<4xf32>
      %reduce_sum3A_334 = vector.multi_reduction <add>, %get3A_332, %reduce_sum3A_333 [1] : vector<4x256xf32> to vector<4xf32>
      %broadcast_in_dim3A_335 = vector.shape_cast %reduce_sum3A_334 : vector<4xf32> to vector<4x1xf32>
      %get3A_336 = arith.constant 8 : index
      %get3A_337 = arith.constant 0 : index
      %get3A_338 = vector.load %arg10[%get3A_336, %get3A_337] : memref<16x256xf32, #tpu.memory_space<vmem>>, vector<4x256xf32>
      %reduce_sum3A_339 = arith.constant dense<0.000000e+00> : vector<4xf32>
      %reduce_sum3A_340 = vector.multi_reduction <add>, %get3A_338, %reduce_sum3A_339 [1] : vector<4x256xf32> to vector<4xf32>
      %broadcast_in_dim3A_341 = vector.shape_cast %reduce_sum3A_340 : vector<4xf32> to vector<4x1xf32>
      %get3A_342 = arith.constant 0 : index
      %get3A_343 = arith.constant 0 : index
      %get3A_344 = vector.load %arg9[%get3A_342, %get3A_343] : memref<8x128xf32, #tpu.memory_space<vmem>>, vector<8x128xf32>
      %get3A_345 = arith.constant 0 : index
      %get3A_346 = arith.constant 0 : index
      %get3A_347 = vector.load %arg5[%get3A_345, %get3A_346] : memref<128x256xf32, #tpu.memory_space<vmem>>, vector<128x256xf32>
      %dot_general3A_348 = arith.constant dense<0.000000e+00> : vector<8x256xf32>
      %dot_general3A_349 = tpu.matmul %get3A_344, %get3A_347, %dot_general3A_348 {dimension_numbers = #tpu.dot_dimension_numbers<[1], [0], [0], [1], [0, 0, 1, 1], [], []>, transpose_lhs_hint = false} : vector<8x128xf32>, vector<128x256xf32>, vector<8x256xf32> -> vector<8x256xf32>
      %slice3A_350 = vector.extract_strided_slice %dot_general3A_349 {offsets = [0, 0], sizes = [4, 256], strides = [1, 1]} : vector<8x256xf32> to vector<4x256xf32>
      %get3A_351 = arith.constant 0 : index
      %get3A_352 = arith.constant 0 : index
      %get3A_353 = vector.load %arg6[%get3A_351, %get3A_352] : memref<2x256xf32, #tpu.memory_space<vmem>>, vector<1x256xf32>
      %mul3A_354 = vector.broadcast %broadcast_in_dim3A_335 : vector<4x1xf32> to vector<4x256xf32>
      %mul3A_355 = vector.broadcast %get3A_353 : vector<1x256xf32> to vector<4x256xf32>
      %mul3A_356 = arith.mulf %mul3A_354, %mul3A_355 : vector<4x256xf32>
      %add3A_357 = arith.addf %slice3A_350, %mul3A_356 : vector<4x256xf32>
      %get3A_358 = arith.constant 1 : index
      %get3A_359 = arith.constant 0 : index
      %get3A_360 = vector.load %arg6[%get3A_358, %get3A_359] : memref<2x256xf32, #tpu.memory_space<vmem>>, vector<1x256xf32>
      %mul3A_361 = vector.broadcast %broadcast_in_dim3A_341 : vector<4x1xf32> to vector<4x256xf32>
      %mul3A_362 = vector.broadcast %get3A_360 : vector<1x256xf32> to vector<4x256xf32>
      %mul3A_363 = arith.mulf %mul3A_361, %mul3A_362 : vector<4x256xf32>
      %add3A_364 = arith.addf %add3A_357, %mul3A_363 : vector<4x256xf32>
      %max3A_365 = arith.constant 1.000000e+00 : f32
      %max3A_366 = vector.broadcast %max3A_365 : f32 to vector<4x1xf32>
      %max3A_367 = arith.maximumf %broadcast_in_dim3A_329, %max3A_366 : vector<4x1xf32>
      %div3A_368 = vector.broadcast %max3A_367 : vector<4x1xf32> to vector<4x256xf32>
      %div3A_369 = arith.divf %add3A_364, %div3A_368 : vector<4x256xf32>
      %get3A_370 = arith.constant 0 : index
      %get3A_371 = arith.constant 0 : index
      %get3A_372 = vector.load %arg7[%get3A_370, %get3A_371] : memref<1x256xf32, #tpu.memory_space<vmem>>, vector<1x256xf32>
      %add3A_373 = vector.broadcast %get3A_372 : vector<1x256xf32> to vector<4x256xf32>
      %add3A_374 = arith.addf %div3A_369, %add3A_373 : vector<4x256xf32>
      %max3A_375 = arith.constant 0.000000e+00 : f32
      %max3A_376 = vector.broadcast %max3A_375 : f32 to vector<4x256xf32>
      %max3A_377 = arith.maximumf %add3A_374, %max3A_376 : vector<4x256xf32>
      %swap3A_378 = arith.constant 0 : index
      %swap3A_379 = arith.constant 0 : index
      %swap3A_380 = vector.load %arg8[%swap3A_378, %swap3A_379] : memref<4x256xf32, #tpu.memory_space<vmem>>, vector<4x256xf32>
      tpu.vector_store %arg8[%swap3A_378, %swap3A_379], %max3A_377 {strides = array<i32>} : memref<4x256xf32, #tpu.memory_space<vmem>>, vector<4x256xf32>,
    } else {
    }
    return
  }
  func.func @transform_0(%arg0: i32) -> (i32, i32, i32) {
    %c0_i32 = arith.constant 0 : i32
    %c0_i32_0 = arith.constant 0 : i32
    %c0_i32_1 = arith.constant 0 : i32
    %c0_i32_2 = arith.constant 0 : i32
    return %c0_i32, %c0_i32_0, %c0_i32_1 : i32, i32, i32
  }
  func.func @transform_1(%arg0: i32) -> (i32, i32, i32) {
    %c0_i32 = arith.constant 0 : i32
    %c0_i32_0 = arith.constant 0 : i32
    %c0_i32_1 = arith.constant 0 : i32
    %c0_i32_2 = arith.constant 0 : i32
    return %c0_i32, %c0_i32_0, %c0_i32_1 : i32, i32, i32
  }
  func.func @transform_2(%arg0: i32) -> (i32, i32) {
    %c0_i32 = arith.constant 0 : i32
    %c0_i32_0 = arith.constant 0 : i32
    %c0_i32_1 = arith.constant 0 : i32
    return %c0_i32, %c0_i32_0 : i32, i32
  }
  func.func @transform_3(%arg0: i32) -> (i32, i32) {
    %c0_i32 = arith.constant 0 : i32
    %c0_i32_0 = arith.constant 0 : i32
    return %c0_i32, %arg0 : i32, i32
  }
  func.func @transform_4(%arg0: i32) -> (i32, i32) {
    %c0_i32 = arith.constant 0 : i32
    %c0_i32_0 = arith.constant 0 : i32
    %c0_i32_1 = arith.constant 0 : i32
    return %c0_i32, %c0_i32_0 : i32, i32
  }
  func.func @transform_5(%arg0: i32) -> (i32, i32) {
    %c0_i32 = arith.constant 0 : i32
    %c0_i32_0 = arith.constant 0 : i32
    %c0_i32_1 = arith.constant 0 : i32
    return %c0_i32, %c0_i32_0 : i32, i32
  }
  func.func @transform_6(%arg0: i32) -> (i32, i32) {
    %c0_i32 = arith.constant 0 : i32
    %c0_i32_0 = arith.constant 0 : i32
    %c0_i32_1 = arith.constant 0 : i32
    return %c0_i32, %c0_i32_0 : i32, i32
  }
  func.func @transform_7(%arg0: i32) -> (i32, i32) {
    %c0_i32 = arith.constant 0 : i32
    %c0_i32_0 = arith.constant 0 : i32
    %c0_i32_1 = arith.constant 0 : i32
    return %c0_i32, %c0_i32_0 : i32, i32
  }
}

</mosaic_0001>

<sc_bundles>
// kernel: sparse-core-data-format-call.cloned.1.call-start
scs
called_computation_lowered:
.L_overlay_start_0:
0x0: {  	s2 =	sld [smem:$0x3FD9]  }
0x1: {  	s3 =	sld [smem:$0x3FFE];
	_ =	sdelay $0x1  }
0x2: {  	s1 =	srdreg.scid  }
0x3: {  	s0 =	sand.u32 $0x1, s1  }
0x4: {  	s18 =	sshll.u32 s0, $0xA;
	s2 =	sadd.s32 s3, s2  }
0x5: {  	s2 =	sadd.s32 s2, s18  }
0x6: {  	[smem:$0x3FC4] =	sst s2  }
0x7: {  	_ = 	snop  }
0x8: {  	s2 =	sld [smem:$0x3FC9];
	(tm) =	ssettm $0x1  }
0x9: {  	s19 =	sld [smem:$0x3FFB];
	_ =	sdelay $0x3  }
0xa: {  	_ =	strace s19  }
0xb: {  	s3 =	sld [smem:$0x3FFC];
	_ =	sdelay $0x3  }
0xc: {  	_ =	strace s3  }
0xd: {  	s3 =	sld [smem:$0x3FFD];
	_ =	sdelay $0x3  }
0xe: {  	_ =	strace s3  }
0xf: {  	_ =	strace $0x8FFFFFFF  }
0x10: {  	s20 =	sld [smem:$0x3FDB];
	_ =	sdelay $0x1  }
0x11: {  	s4 =	simm.s32 $_scs_section_size  }
0x12: {  	s5 =	simm.s32 $_size__tile_overlayer_lowered;
	s6 =	simm.s32 $_tile_overlayer_lowered  }
0x13: {  	s23 =	simm.s32 $0x1BFF;
	s22 =	sshll.u32 s6, $0x1;
	s3 =	sadd.s32 s4, s20  }
0x14: {  	s7 =	simm.s32 $0x0;
	s21 =	sshll.u32 s5, $0x1;
	s5 =	sadd.s32 s22, s3  }
0x15: {  	[timem:s7], [sflag:s23] =	dma.local [hbm:s5], s21  }
0x16: {  	_ =	swait.ge [sflag:s23], s21  }
0x17: {  	s4 =	ssub.s32 $0x0, s21;
	[sflag:s23] =	ssyncset.done $0x0  }
0x18: {  	[sflag:s23] =	ssyncadd.s32 s4;
	_ =	sdelay $0x1  }
0x19: {  	s24 =	simm.s32 $0x1B8B  }
0x1a: {  	_ =	swait.ge [sflag:s24], $0x1  }
0x1b: {  	[sflag:s24] =	ssyncset.done $0x0  }
0x1c: {  	s26 =	simm.s32 $0x1B8E;
	s25 =	sld [smem:$0x3FFE];
	[sflag:s24] =	ssyncadd.s32 $0xFFFFFFFF  }
0x1d: {  	s27 =	simm.s32 $execute0_lowered;
	[smem:$0x3FD2] =	sst s26  }
0x1e: {  	s5 =	sshll.u32 s27, $0x1;
	_ =	strace $0x80000046;
	[dreg:$0x1] =	wrdreg $0xFFFFFFFF  }
0x1f: {  	s28 =	simm.s32 $_size_execute0_lowered;
	s3 =	sadd.s32 s3, s5;
	[dreg:$0x0] =	wrdreg $0x0  }
0x20: {  	s5 =	sshll.u32 s28, $0x1;
	[dreg:$0x2] =	wrdreg s3  }
0x21: {  	[dreg:$0x3] =	wrdreg s5  }
0x22: {  	[dreg:$0x4] =	wrdreg $0xC0  }
0x23: {  	_ =	task [dreg:s7], $0x5FFFF  }
0x24: {  	[dreg:$0x1] =	wrdreg $0xFFFFFFFF  }
0x25: {  	[dreg:$0x0] =	wrdreg $0x60  }
0x26: {  	[dreg:$0x2] =	wrdreg s2  }
0x27: {  	[dreg:$0x3] =	wrdreg s25  }
0x28: {  	[dreg:$0x4] =	wrdreg $0x9  }
0x29: {  	_ =	task.clear_ibuf [dreg:s7], $0x5FFFF;
	_ =	strace $0x90000046  }
0x2a: {  	s29 =	simm.s32 $0x9;
	_ =	strace $0x80000048  }
0x2b: {  	_ =	swait.ge [sflag:s29], $0x1  }
0x2c: {  	[sflag:s29] =	ssyncadd.s32 $0xFFFFFFFF  }
0x2d: {  	_ =	strace $0x90000048  }
0x2e: {  	_ =	sfence  }
0x2f: {  	s30 =	sld [smem:$0x0];
	_ =	sdelay $0x2  }
0x30: {  	s31 =	sshll.u32 s1, $0xD;
	s1 =	sshrl.u32 s1, $0x2  }
0x31: {  	s3 =	sand.u32 $0x4000, s31;
	s1 =	sadd.s32 s1, s30  }
0x32: {  	s0 =	sor.u32 s3, s0;
	s1 =	sshll.u32 s1, $0x11  }
0x33: {  	s0 =	sor.u32 s1, s0  }
0x34: {  	s0 =	sadd.s32 $0x8F2B, s0  }
0x35: {  	[sflag:s0] =	ssyncadd.remote.s32 $0x1  }
0x36: {  	_ =	sfence.sel $0xFFFF  }
0x37: {  	[dreg:$0x0] =	wrdreg $0xFFFFFFFF;
	(pc) =	sbr.abs _section_cstart, $3  }
0x38: {  	[dreg:$0x1] =	wrdreg $0xFFFFFFFF  }
0x39: {  	_ =	task.clear_ibuf [dreg:s7], $0x2FFFF;
	_ =	strace $0x9FFFFFFF  }
0x3a: {  	(tm) =	ssettm $0x7FFFFFFF  }
0x3b: {  	_ =	shalt  }
tec
execute0_lowered:
.L_overlay_start_1:
0x0: {  	(tag) =	ssettag $0x1  }
0x1: {  	s2 =	rddreg [dreg:$0x0]  }
0x2: {  	s3 =	rddreg [dreg:$0x1];
	s1 =	srdreg.scid  }
0x3: {  	s0 =	rddreg [dreg:$0x2];
	_ =	strace $0x80000047;
	s5 =	simm.s32 $0x1  }
0x4: {  	s8 =	simm.s32 $0x2;
	s14 =	simm.s32 $0x0;
	p0 =	por $0x0, $0x0  }
0x5: {  	s15 =	simm.s32 $0x0;
	s17 =	simm.s32 $0x0;
	s16 =	simm.s32 $0x0  }
0x6: {  	s10 =	simm.s32 $0x0;
	s11 =	simm.s32 $0x0;
	s4 =	sand.u32 $0x1, s1  }
.Ltmp0:
0x7: {  	s13 =	stileid.u32;
	s6 =	ssub.s32 $0x8, s4;
	(pc) =	sbr.rel .LBB1_1-.Ltmp0, $4  }
0x8: {  	s1 =	stileid.u32;
	[sflag:s5] =	ssyncpa.u1 $0x0;
	s7 =	sshrl.u32 s6, $0x1  }
0x9: {  	[sflag:s8] =	ssyncpa.u1 $0x0;
	s8 =	simm.s32 $0x800;
	s9 =	sadd.s32 s4, s7  }
0xa: {  	s12 =	smov.u32 s4;
	s6 =	ssub.s32 s6, s7;
	s31 =	sshll.u32 s9, $0x2  }
0xb: {  	s6 =	sshll.u32 s6, $0x2;
	s9 =	simm.s32 $0x0;
	s7 =	ssub.s32 $0x22, s31  }
.LBB1_4:
0xc: {  	_ =	sdelay $0x3  }
0xd: {  	[tilespmem:v0+s20+$0xFFFFFFA0 ss:$0x1] =	vst.idx.msk $0xffff, v6  }
0xe: {  	v56 =	vld.idx.msk [tilespmem:v1+s19+$0x30 ss:$0x1], $0xffff;
	[tilespmem:v0+s20+$0xFFFFFFB0 ss:$0x1] =	vst.idx.msk $0xffff, v4  }
0xf: {  	v57 =	vld.idx.msk [tilespmem:v1+s19+$0xFFFFFFC0 ss:$0x1], $0xffff;
	[tilespmem:v0+s20+$0xFFFFFFC0 ss:$0x1] =	vst.idx.msk $0xffff, v2  }
0x10: {  	v58 =	vld.idx.msk [tilespmem:v1+s19+$0xFFFFFFD0 ss:$0x1], $0xffff;
	[tilespmem:v0+s20+$0xFFFFFFD0 ss:$0x1] =	vst.idx.msk $0xffff, v3  }
0x11: {  	v59 =	vld.idx.msk [tilespmem:v1+s19+$0xFFFFFFE0 ss:$0x1], $0xffff;
	[tilespmem:v0+s20+$0xFFFFFFE0 ss:$0x1] =	vst.idx.msk $0xffff, v5  }
0x12: {  	v60 =	vld.idx.msk [tilespmem:v1+s19+$0xFFFFFFF0 ss:$0x1], $0xffff;
	[tilespmem:v0+s20+$0xFFFFFFF0 ss:$0x1] =	vst.idx.msk $0xffff, v7  }
0x13: {  	v61 =	vld.idx.msk [tilespmem:v1+s19+$0x0 ss:$0x1], $0xffff;
	[tilespmem:v0+s19+$0x0 ss:$0x1] =	vst.idx.msk $0xffff, v56  }
0x14: {  	v62 =	vld.idx.msk [tilespmem:v1+s19+$0x10 ss:$0x1], $0xffff;
	[tilespmem:v0+s19+$0xFFFFFF90 ss:$0x1] =	vst.idx.msk $0xffff, v57  }
0x15: {  	s17 =	sshll.u32 s17, $0x7;
	v63 =	vld.idx.msk [tilespmem:v1+s19+$0x20 ss:$0x1], $0xffff;
	s29 =	sand.u32 $0x78, s14;
	[tilespmem:v0+s19+$0xFFFFFFA0 ss:$0x1] =	vst.idx.msk $0xffff, v58  }
0x16: {  	s30 =	sshll.u32 s14, $0x3;
	s16 =	sshll.u32 s16, $0x10;
	s17 =	sand.u32 $0x380, s17;
	[tilespmem:v0+s19+$0xFFFFFFB0 ss:$0x1] =	vst.idx.msk $0xffff, v59  }
0x17: {  	s15 =	sshll.u32 s15, $0x8;
	s20 =	sand.u32 $0x400, s30;
	s17 =	sor.u32 s29, s17;
	[tilespmem:v0+s19+$0xFFFFFFC0 ss:$0x1] =	vst.idx.msk $0xffff, v60  }
0x18: {  	s31 =	sand.u32 $0x7, s14;
	s16 =	sadd.s32 s3, s16;
	s17 =	sor.u32 s20, s17;
	[tilespmem:v0+s19+$0xFFFFFFD0 ss:$0x1] =	vst.idx.msk $0xffff, v61  }
0x19: {  	s14 =	sshll.u32 s31, $0x12;
	s15 =	sadd.s32 s15, s16;
	s17 =	sshrl.u32 s17, $0x3;
	[tilespmem:v0+s19+$0xFFFFFFE0 ss:$0x1] =	vst.idx.msk $0xffff, v62  }
0x1a: {  	s14 =	sor.u32 $0x80, s14;
	[tilespmem:v0+s19+$0xFFFFFFF0 ss:$0x1] =	vst.idx.msk $0xffff, v63;
	s15 =	sadd.s32 s17, s15  }
0x1b: {  	[hbm4b:s15+s14] =	stream.strided.scatter [tilespmem:s18], [sflag:$0x2], $0x4000, s8, s14, $0x38;
	[tilespmem:$0x10000] =	vst v63  }
.LBB1_5:
0x1c: {  	s18 =	sadd.s32 $0x80, s10  }
0x1d: {  	s14 =	sadd.s32 $0x80, s11;
	s19 =	smov.u32 s11;
	p2 =	sgt.s32 s18, $0xFF  }
0x1e: {  	s19 =	smov.u32 @p2 s14  }
0x1f: {  	s20 =	smov.u32 s12;
	s14 =	sadd.s32 $0x2, s12;
	p3 =	sgt.s32 s19, $0xFF  }
0x20: {  	s20 =	smov.u32 @p3 s14  }
0x21: {  	s21 =	smov.u32 s13;
	s14 =	sadd.s32 $0x10, s13;
	p4 =	sgt.s32 s20, $0x7  }
0x22: {  	p1 =	slt.u32 s9, $0x2;
	s21 =	smov.u32 @p4 s14  }
0x23: {  	s9 =	sadd.s32 $0x1, s9;
	s18 =	simm.s32 @p2 $0x0;
	p2 =	sgt.s32 s21, $0xF  }
0x24: {  	s22 =	simm.s32 @!p1 $0x2;
	s21 =	smov.u32 @p2 s1;
	p2 =	sne.s32 s9, s7  }
.Ltmp1:
0x25: {  	s15 =	smov.u32 s11;
	_ =	swait.ge @!p1 [sflag:s22], $0x4000;
	(pc) =	sbr.rel @!p2 .LBB1_6-.Ltmp1, $4  }
0x26: {  	s17 =	smov.u32 s12;
	s16 =	smov.u32 s13;
	[sflag:s22] =	ssyncset.done @!p1 $0x0  }
0x27: {  	p0 =	por !p0, !p0;
	s19 =	simm.s32 @p3 $0x0;
	[sflag:s22] =	ssyncadd.s32 @!p1 $0xFFFFC000  }
0x28: {  	s11 =	smov.u32 s19;
	s20 =	smov.u32 @p4 s4;
	s14 =	smov.u32 s10  }
0x29: {  	s10 =	smov.u32 s18;
	s12 =	smov.u32 s20;
	s13 =	smov.u32 s21  }
.LBB1_1:
0x2a: {  	p1 =	sge.u32 s9, s6;
	s31 =	sadd.s32 $0xFFFFFFFF, s9  }
0x2b: {  	s18 =	sxor.u32 @!p1 $0xFFFFFFFF, s9;
	s19 =	sand.u32 @!p1 $0x78, s10;
	s20 =	sshll.u32 @!p1 s11, $0x8  }
0x2c: {  	s21 =	sshll.u32 @!p1 s10, $0x3;
	s22 =	sshll.u32 @!p1 s11, $0x7;
	s18 =	sshll.u32 @!p1 s18, $0xE  }
0x2d: {  	s20 =	sand.u32 @!p1 $0xF800, s20;
	s21 =	sand.u32 @!p1 $0xFC00, s21;
	s18 =	sand.u32 @!p1 $0x4000, s18  }
0x2e: {  	s20 =	sadd.s32 @!p1 s20, s21;
	s21 =	sand.u32 @!p1 $0x300, s22;
	s22 =	sand.u32 @!p1 $0x80, s22  }
0x2f: {  	s20 =	sor.u32 @!p1 s21, s20;
	s19 =	sor.u32 @!p1 s19, s22;
	s21 =	sshll.u32 @!p1 s13, $0x10  }
0x30: {  	s22 =	sshll.u32 @!p1 s12, $0xD;
	s20 =	sshrl.u32 @!p1 s20, $0x3;
	s21 =	sadd.s32 @!p1 s2, s21  }
0x31: {  	s19 =	sshrl.u32 @!p1 s19, $0x3;
	s21 =	sadd.s32 @!p1 s22, s21;
	s22 =	sand.u32 @!p1 $0x7, s10  }
0x32: {  	s20 =	sand.u32 @!p1 $0x1FE0, s20;
	s19 =	sadd.s32 @!p1 s19, s21;
	s21 =	sshll.u32 @!p1 s22, $0x12  }
0x33: {  	s19 =	sadd.s32 @!p1 s20, s19;
	s20 =	sor.u32 @!p1 $0x400, s21;
	s21 =	simm.s32 @!p1 $0x800  }
0x34: {  	[tilespmem:s18], [sflag:$0x1] =	stream.strided.gather @!p1 [hbm4b:s19+s20], $0x4000, s21, s20, $0x38;
	[tilespmem:$0x10000] =	vst v63  }
0x35: {  	p1 =	sge.u32 s31, s6  }
.Ltmp2:
0x36: {  	_ = 	snop;
	(pc) =	sbr.rel @p1 .LBB1_5-.Ltmp2, $1  }
0x37: {  	_ =	sdelay $0x3  }
0x38: {  	s18 =	simm.s32 $0x1  }
0x39: {  	s18 =	simm.s32 @!p0 $0x0  }
0x3a: {  	s18 =	sshll.u32 s18, $0xE  }
0x3b: {  	s19 =	sor.u32 $0x40, s18  }
0x3c: {  	v1 =	vmov s19;
	_ =	sdelay $0x1  }
0x3d: {  	_ =	swait.ge [sflag:s5], $0x4000  }
0x3e: {  	[sflag:s5] =	ssyncset.done $0x0  }
0x3f: {  	s20 =	simm.s32 $0x0;
	[sflag:s5] =	ssyncadd.s32 $0xFFFFC000  }
0x40: {  	s18 =	sor.u32 $0x8070, s18;
	v7 =	vld.idx.msk [tilespmem:v1+s20+$0x30 ss:$0x1], $0xffff  }
0x41: {  	v0 =	vmov s18;
	v8 =	vld.idx.msk [tilespmem:v1+s20+$0xFFFFFFC0 ss:$0x1], $0xffff  }
0x42: {  	v6 =	vld.idx.msk [tilespmem:v1+s20+$0xFFFFFFD0 ss:$0x1], $0xffff  }
0x43: {  	v4 =	vld.idx.msk [tilespmem:v1+s20+$0xFFFFFFE0 ss:$0x1], $0xffff  }
0x44: {  	v2 =	vld.idx.msk [tilespmem:v1+s20+$0xFFFFFFF0 ss:$0x1], $0xffff  }
0x45: {  	s31 =	sshll.u32 s9, $0xE;
	v3 =	vld.idx.msk [tilespmem:v1+s20+$0x0 ss:$0x1], $0xffff  }
0x46: {  	s18 =	sand.u32 $0x4000, s31;
	v5 =	vld.idx.msk [tilespmem:v1+s20+$0x10 ss:$0x1], $0xffff;
	[tilespmem:v0+s20+$0x0 ss:$0x1] =	vst.idx.msk $0xffff, v7  }
0x47: {  	s21 =	simm.s32 $0x400;
	s19 =	simm.s32 $0x80;
	s18 =	sor.u32 $0x8000, s18;
	[tilespmem:v0+s20+$0xFFFFFF90 ss:$0x1] =	vst.idx.msk $0xffff, v8;
	v7 =	vld.idx.msk [tilespmem:v1+s20+$0x20 ss:$0x1], $0xffff  }
.LBB1_3:
0x48: {  	p1 =	sne.s32 s21, $0xFE00;
	v8 =	vld.idx.msk [tilespmem:v1+s19+$0x30 ss:$0x1], $0xffff;
	[tilespmem:v0+s20+$0xFFFFFFA0 ss:$0x1] =	vst.idx.msk $0xffff, v6  }
0x49: {  	v9 =	vld.idx.msk [tilespmem:v1+s19+$0xFFFFFFC0 ss:$0x1], $0xffff;
	[tilespmem:v0+s20+$0xFFFFFFB0 ss:$0x1] =	vst.idx.msk $0xffff, v4  }
0x4a: {  	v6 =	vld.idx.msk [tilespmem:v1+s19+$0xFFFFFFD0 ss:$0x1], $0xffff;
	[tilespmem:v0+s20+$0xFFFFFFC0 ss:$0x1] =	vst.idx.msk $0xffff, v2  }
.Ltmp3:
0x4b: {  	v4 =	vld.idx.msk [tilespmem:v1+s19+$0xFFFFFFE0 ss:$0x1], $0xffff;
	[tilespmem:v0+s20+$0xFFFFFFD0 ss:$0x1] =	vst.idx.msk $0xffff, v3;
	(pc) =	sbr.rel @p1 .LBB1_3-.Ltmp3, $4  }
0x4c: {  	v2 =	vld.idx.msk [tilespmem:v1+s19+$0xFFFFFFF0 ss:$0x1], $0xffff;
	[tilespmem:v0+s20+$0xFFFFFFE0 ss:$0x1] =	vst.idx.msk $0xffff, v5  }
0x4d: {  	v3 =	vld.idx.msk [tilespmem:v1+s19+$0x0 ss:$0x1], $0xffff;
	[tilespmem:v0+s20+$0xFFFFFFF0 ss:$0x1] =	vst.idx.msk $0xffff, v7;
	s20 =	smov.u32 s19  }
0x4e: {  	v5 =	vld.idx.msk [tilespmem:v1+s20+$0x10 ss:$0x1], $0xffff;
	[tilespmem:v0+s20+$0x0 ss:$0x1] =	vst.idx.msk $0xffff, v8  }
0x4f: {  	s19 =	sshra.s32 s21, $0x2;
	s21 =	sadd.s32 $0x200, s21;
	[tilespmem:v0+s20+$0xFFFFFF90 ss:$0x1] =	vst.idx.msk $0xffff, v9;
	v7 =	vld.idx.msk [tilespmem:v1+s20+$0x20 ss:$0x1], $0xffff  }
.Ltmp4:
0x50: {  	_ = 	snop;
	(pc) =	sbr.rel .LBB1_4-.Ltmp4, $1  }
0x51: {  	_ =	sdelay $0x3  }
.LBB1_6:
0x52: {  	_ =	sfence.sel $0x180000  }
0x53: {  	s2 =	simm.s32 $0x1;
	[bflag:$0x0] =	sbarrier.arrive $0xFFFF  }
0x54: {  	s31 =	simm.s32 $0x2;
	[sflag:s2] =	ssyncpa.u1 $0x1  }
0x55: {  	[sflag:s31] =	ssyncpa.u1 $0x1  }
0x56: {  	p0 =	sne.s32 s1, $0x0;
	_ =	strace $0x90000047  }
0x57: {  	s0 =	sadd.s32 @!p0 $0x100000, s0;
	[bflag:$0x2] =	sbarrier.arrive $0xFFFF  }
0x58: {  	[sflag:s0] =	ssyncadd.tile.s32 @!p0 $0x1;
	_ =	shalt  }
.Lfunc_end1:
_tile_overlayer_lowered:
.L_overlay_start_2:
0x59: {  	(tag) =	ssettag $0x2  }
0x5a: {  	s0 =	rddreg [dreg:$0x0];
	s2 =	stileid.u32  }
0x5b: {  	s1 =	rddreg [dreg:$0x1];
	p0 =	sne.s32 s2, $0x0  }
0x5c: {  	s3 =	rddreg [dreg:$0x2];
	[bflag:$0x3] =	sbarrier.arrive $0xFFFF;
	s2 =	simm.s32 @!p0 $0x1C01  }
0x5d: {  	[timem:s3], [sflag:s2] =	dma.local @!p0 [hbm:s0], s1  }
0x5e: {  	s0 =	simm.s32 @!p0 $0x1  }
0x5f: {  	_ =	swait.ge @!p0 [sflag:s0], s1  }
0x60: {  	s1 =	ssub.s32 @!p0 $0x0, s1;
	[sflag:s0] =	ssyncset.done @!p0 $0x0  }
0x61: {  	[sflag:s0] =	ssyncadd.s32 @!p0 s1  }
0x62: {  	[bflag:$0x3] =	sbarrier.arrive $0xFFFF  }
0x63: {  	_ =	shalt  }

</sc_bundles>
